<compile_context>
chip_gen: v7x
topology: tpu7x:2x2x1
jax: 0.10.2.dev20260603
libtpu: 0.0.44.dev20260713+nightly
codegen_flags: <defaults>
</compile_context>

<pallas_src>
import functools

import jax
import jax.numpy as jnp
from jax import lax
from jax.experimental import pallas as pl
from jax.experimental.pallas import tpu as pltpu
from jax.experimental.pallas import tpu_sc as plsc

E = 8
D = 768
DFFN = 1536
S = 2048
NPAIR = 2 * S
BLK = 256
NBLK = NPAIR // BLK + E
PAD = NBLK * BLK
NC = 2
NS = 16
NW = NC * NS
SLOTS = PAD // NW
INV_SQRT2 = 0.7071067811865476

_sc_mesh = plsc.VectorSubcoreMesh(
    core_axis_name="c", subcore_axis_name="s", num_cores=NC, num_subcores=NS)


def _route_body(x_ref, rwt_ref, dest_ref, rw_ref, be_ref):
    x = x_ref[...]
    logits = lax.dot_general(x, rwt_ref[...], (((1,), (1,)), ((), ())),
                             preferred_element_type=jnp.float32)
    m = jnp.max(logits, axis=1, keepdims=True)
    ex = jnp.exp(logits - m)
    p = ex / jnp.sum(ex, axis=1, keepdims=True)
    idx = lax.broadcasted_iota(jnp.int32, p.shape, 1)
    m1 = jnp.max(p, axis=1, keepdims=True)
    a1 = jnp.min(jnp.where(p == m1, idx, E), axis=1, keepdims=True)
    pm = jnp.where(idx == a1, -1.0, p)
    m2 = jnp.max(pm, axis=1, keepdims=True)
    a2 = jnp.min(jnp.where(pm == m2, idx, E), axis=1, keepdims=True)
    tot = m1 + m2
    rw_ref[...] = jnp.concatenate([m1 / tot, m2 / tot], axis=1)

    one = jnp.ones((), jnp.int32)
    zero = jnp.zeros((), jnp.int32)
    oh1 = jnp.where(idx == a1, one, zero)
    oh2 = jnp.where(idx == a2, one, zero)
    n = oh1 + oh2

    packed = jnp.concatenate([oh1, oh2], axis=1)
    sh = 1
    while sh < S:
        packed = packed + jnp.concatenate(
            [jnp.zeros((sh, 2 * E), jnp.int32), packed[:-sh]], axis=0)
        sh *= 2
    incl1 = packed[:, :E]
    incl2 = packed[:, E:]
    prefix1 = incl1 - oh1
    prefix2 = incl2 - oh2
    counts1 = incl1[S - 1:S, :]
    counts = counts1 + incl2[S - 1:S, :]
    pc = (counts + BLK - 1) & (-BLK)

    ends = pc
    sh = 1
    while sh < E:
        shifted = jnp.concatenate(
            [jnp.zeros((1, sh), jnp.int32), ends[:, :-sh]], axis=1)
        ends = ends + shifted
        sh *= 2
    po = ends - pc

    rank1 = jnp.sum(prefix1 * oh1, axis=1, keepdims=True)
    rank2 = jnp.sum((counts1 + prefix2) * oh2, axis=1, keepdims=True)
    po1 = jnp.sum(po * oh1, axis=1, keepdims=True)
    po2 = jnp.sum(po * oh2, axis=1, keepdims=True)
    d1r = jnp.transpose(po1 + rank1, (1, 0))
    d2r = jnp.transpose(po2 + rank2, (1, 0))
    dest_ref[...] = jnp.concatenate(
        [d1r, d2r, jnp.zeros((6, S), jnp.int32)], axis=0)

    bstart = lax.broadcasted_iota(jnp.int32, (32, 1), 0) * BLK
    total = ends[:, E - 1:E]
    bstartc = jnp.minimum(bstart, total - BLK)
    acc = jnp.sum(
        jnp.where(bstartc >= ends, jnp.ones((32, E), jnp.int32),
                  jnp.zeros((32, E), jnp.int32)),
        axis=1, keepdims=True)
    be = jnp.minimum(acc, E - 1)
    iota32 = lax.broadcasted_iota(jnp.int32, (32, 1), 0)
    nused = lax.shift_right_logical(total, 8)
    xmap = jnp.minimum(iota32, nused - 1)
    flags = jnp.where(bstart < total, jnp.ones((32, 1), jnp.int32),
                      jnp.zeros((32, 1), jnp.int32))
    be_ref[...] = jnp.concatenate([be, xmap, flags], axis=1)



PW = NPAIR // NW


HPW = PW // 2


@functools.partial(
    pl.kernel,
    out_type=jax.ShapeDtypeStruct((PAD, D), jnp.float32),
    mesh=_sc_mesh,
    scratch_types=[
        pltpu.VMEM((HPW,), jnp.int32),
        pltpu.VMEM((HPW,), jnp.int32),
        pltpu.VMEM((HPW, D), jnp.float32),
        pltpu.VMEM((HPW, D), jnp.float32),
        pltpu.SemaphoreType.DMA,
        pltpu.SemaphoreType.DMA,
    ],
)
def _scatter_rows(x_hbm, dest_hbm, xs_hbm, dv0, dv1, rows0, rows1, s0, s1):
    c = lax.axis_index("c")
    s = lax.axis_index("s")
    w = s * NC + c
    k = w // NS
    trange = (w % NS) * PW
    t0 = pl.multiple_of(trange, 8)
    t1 = pl.multiple_of(trange + HPW, 8)
    pltpu.sync_copy(dest_hbm.at[k, pl.ds(t0, HPW)], dv0)
    pltpu.sync_copy(dest_hbm.at[k, pl.ds(t1, HPW)], dv1)
    pltpu.sync_copy(x_hbm.at[pl.ds(t0, HPW)], rows0)
    a0 = pltpu.async_copy(rows0, xs_hbm.at[dv0], s0)
    pltpu.sync_copy(x_hbm.at[pl.ds(t1, HPW)], rows1)
    a1 = pltpu.async_copy(rows1, xs_hbm.at[dv1], s1)
    a0.wait()
    a1.wait()


@functools.partial(
    pl.kernel,
    out_type=jax.ShapeDtypeStruct((S, 2 * D), jnp.float32),
    mesh=_sc_mesh,
    scratch_types=[
        pltpu.VMEM((HPW,), jnp.int32),
        pltpu.VMEM((HPW,), jnp.int32),
        pltpu.VMEM((HPW, D), jnp.float32),
        pltpu.VMEM((HPW, D), jnp.float32),
        pltpu.SemaphoreType.DMA,
        pltpu.SemaphoreType.DMA,
    ],
)
def _gather_back(outp_hbm, dest_hbm, orep_hbm, dv0, dv1, rows0, rows1,
                 s0, s1):
    c = lax.axis_index("c")
    s = lax.axis_index("s")
    w = s * NC + c
    k = w // NS
    trange = (w % NS) * PW
    t0 = pl.multiple_of(trange, 8)
    t1 = pl.multiple_of(trange + HPW, 8)
    koff = pl.multiple_of(k * D, 8)
    pltpu.sync_copy(dest_hbm.at[k, pl.ds(t0, HPW)], dv0)
    pltpu.sync_copy(dest_hbm.at[k, pl.ds(t1, HPW)], dv1)
    a0 = pltpu.async_copy(outp_hbm.at[dv0], rows0, s0)
    a1 = pltpu.async_copy(outp_hbm.at[dv1], rows1, s1)
    a0.wait()
    pltpu.sync_copy(rows0, orep_hbm.at[pl.ds(t0, HPW), pl.ds(koff, D)])
    a1.wait()
    pltpu.sync_copy(rows1, orep_hbm.at[pl.ds(t1, HPW), pl.ds(koff, D)])


def _mlp_body(mt_ref, xs_ref, w1_ref, w2_ref, o_ref):
    @pl.when(mt_ref[pl.program_id(0), 2] == 1)
    def _():
        h = jnp.dot(xs_ref[...], w1_ref[...],
                    preferred_element_type=jnp.float32)
        h = 0.5 * h * (1.0 + lax.erf(h * INV_SQRT2))
        o_ref[...] = jnp.dot(h, w2_ref[...],
                             preferred_element_type=jnp.float32)


def _comb_body(orep_ref, rw_ref, y_ref):
    a = orep_ref[...]
    rw = rw_ref[...]
    y_ref[...] = a[:, :D] * rw[:, 0:1] + a[:, D:] * rw[:, 1:2]


def kernel(x, router_w, w1, w2):
    xf = x.reshape(S, D)
    dest_km, rw2, meta = pl.pallas_call(
        _route_body,
        out_shape=[jax.ShapeDtypeStruct((E, S), jnp.int32),
                   jax.ShapeDtypeStruct((S, 2), jnp.float32),
                   jax.ShapeDtypeStruct((32, 3), jnp.int32)],
    )(xf, router_w)

    xs = _scatter_rows(xf, dest_km)

    outp = pl.pallas_call(
        _mlp_body,
        grid_spec=pltpu.PrefetchScalarGridSpec(
            num_scalar_prefetch=1,
            grid=(NBLK,),
            in_specs=[
                pl.BlockSpec((BLK, D), lambda i, mt: (mt[i, 1], 0)),
                pl.BlockSpec((D, DFFN), lambda i, mt: (0, mt[i, 0])),
                pl.BlockSpec((DFFN, D), lambda i, mt: (mt[i, 0], 0)),
            ],
            out_specs=pl.BlockSpec((BLK, D), lambda i, mt: (mt[i, 1], 0)),
        ),
        out_shape=jax.ShapeDtypeStruct((PAD, D), jnp.float32),
    )(meta, xs, w1, w2)

    orep = _gather_back(outp, dest_km)

    y = pl.pallas_call(
        _comb_body,
        grid=(4,),
        in_specs=[
            pl.BlockSpec((S // 4, 2 * D), lambda i: (i, 0)),
            pl.BlockSpec((S // 4, 2), lambda i: (i, 0)),
        ],
        out_specs=pl.BlockSpec((S // 4, D), lambda i: (i, 0)),
        out_shape=jax.ShapeDtypeStruct((S, D), jnp.float32),
    )(orep, rw2)
    return y.reshape(1, S, D)

# --- scband reference (transcript-rebuilt; emitter-appended) ---
"""Pipeline reference for scband-moe-mlpstk-52982716563636 (READ-ONLY COPY).

The authoritative reference and input builder live on the scoring server;
editing this copy changes nothing except your own understanding.
"""

import jax, jax.numpy as jnp
import numpy as np

E = 8
TOP_K = 2
D = 768
D_FFN = 1536  # ceil(4*768/2 / 128)*128
B = 1
S = 2048


def setup_inputs(seed: int = 0) -> dict:
    key = jax.random.key(seed)
    k1, k2, k3, k4 = jax.random.split(key, 4)
    x = jax.random.normal(k1, (B, S, D), dtype=jnp.float32)
    # router: nn.Linear(n_embd, num_experts, bias=False) -> weight [E, D]
    router_w = jax.random.normal(k2, (E, D), dtype=jnp.float32) * 0.02
    # trunc_normal_(std=0.02, a=-0.06, b=0.06) == truncated normal at +-3 sigma
    w1 = jax.random.truncated_normal(k3, -3.0, 3.0, (D, D_FFN * E), dtype=jnp.float32) * 0.02
    w2 = jax.random.truncated_normal(k4, -3.0, 3.0, (D_FFN * E, D), dtype=jnp.float32) * 0.02
    return {"x": x, "router_w": router_w, "w1": w1, "w2": w2}


def reference(x, router_w, w1, w2):
    b, s, d = x.shape
    x_flat = x.reshape(-1, d)
    # _route_tokens
    router_logits = x_flat @ router_w.T
    router_probs = jax.nn.softmax(router_logits.astype(jnp.float32), axis=1)
    router_weights, selected_experts = jax.lax.top_k(router_probs, TOP_K)
    router_weights = router_weights / router_weights.sum(axis=-1, keepdims=True)  # norm_topk_prob
    router_weights = router_weights.astype(x_flat.dtype)
    # _sort_by_expert: replicate tokens and stable-sort by expert id
    x_rep = jnp.repeat(x_flat, TOP_K, axis=0)
    sel_rep = selected_experts.reshape(-1)
    rw_rep = router_weights.reshape(-1, 1)
    sort_idx = jnp.argsort(sel_rep)  # jnp.argsort is stable
    x_sorted = x_rep[sort_idx]
    sel_sorted = sel_rep[sort_idx]
    rw_sorted = rw_rep[sort_idx]
    inv_sort = jnp.zeros_like(sort_idx).at[sort_idx].set(jnp.arange(sort_idx.shape[0]))
    # expert MLP (STK block-sparse sdd/gelu/dsd is mathematically the per-expert
    # dense MLP on that expert's rows; zero-padded rows are discarded by unpad)
    w1r = w1.reshape(d, E, D_FFN)   # columns e*D_FFN:(e+1)*D_FFN -> expert e slice of w1
    w2r = w2.reshape(E, D_FFN, d)   # rows e*D_FFN:(e+1)*D_FFN -> expert e slice of w2
    out_sorted = jnp.zeros((x_sorted.shape[0], d), dtype=x.dtype)
    for e in range(E):
        h = jax.nn.gelu(x_sorted @ w1r[:, e, :], approximate=False)
        oe = h @ w2r[e]
        mask = (sel_sorted == e)[:, None]
        out_sorted = out_sorted + jnp.where(mask, oe, jnp.zeros((), dtype=x.dtype))
    # apply router weights, unsort, combine top-k copies per token
    weighted_sorted = out_sorted * rw_sorted
    out_rep = weighted_sorted[inv_sort]
    y = out_rep.reshape(-1, TOP_K, d).sum(axis=1)
    return y.reshape(b, s, d)

if __name__ == "__main__":
    import jax
    _d = setup_inputs()
    print(jax.jit(kernel)(*tuple(_d.values())))

</pallas_src>

<mosaic_0001>
#map = affine_map<(d0, d1) -> (0, 0)>
module attributes {stable_mosaic.version = 14 : i64} {
  func.func @_gather_back(%arg0: i32, %arg1: i32, %arg2: memref<6144x768xf32, #tpu.memory_space<hbm>>, %arg3: memref<8x2048xi32, #tpu.memory_space<hbm>>, %arg4: memref<2048x1536xf32, #tpu.memory_space<hbm>>, %arg5: memref<64xi32, #tpu.memory_space<vmem>>, %arg6: memref<64xi32, #tpu.memory_space<vmem>>, %arg7: memref<64x768xf32, #tpu.memory_space<vmem>>, %arg8: memref<64x768xf32, #tpu.memory_space<vmem>>, %arg9: memref<!tpu.dma_semaphore, #tpu.memory_space<semaphore_mem>>, %arg10: memref<!tpu.dma_semaphore, #tpu.memory_space<semaphore_mem>>) attributes {dimension_semantics = [#tpu.dimension_semantics<core_parallel>, #tpu.dimension_semantics<subcore_parallel>], iteration_bounds = array<i64: 2, 16>, scalar_prefetch = 0 : i64, scratch_operands = 6 : i64, tpu.core_type = #tpu.core_type<sc_vector_subcore>, window_params = [{transform_indices = #map}, {transform_indices = #map}, {transform_indices = #map}]} {
    %mul3A = arith.constant 2 : i32
    %mul3A_0 = arith.muli %arg1, %mul3A : i32
    %add3A = arith.addi %mul3A_0, %arg0 : i32
    %jit3A = arith.constant 16 : i32
    %div3A = arith.divsi %add3A, %jit3A : i32
    %sign3A = arith.constant 0 : i32
    %sign3A_1 = arith.cmpi sgt, %add3A, %sign3A : i32
    %sign3A_2 = arith.extui %sign3A_1 : i1 to i32
    %sign3A_3 = arith.constant 0 : i32
    %sign3A_4 = arith.cmpi slt, %add3A, %sign3A_3 : i32
    %sign3A_5 = arith.extui %sign3A_4 : i1 to i32
    %sign3A_6 = arith.subi %sign3A_2, %sign3A_5 : i32
    %sign3A_7 = arith.constant 0 : i32
    %sign3A_8 = arith.cmpi sgt, %jit3A, %sign3A_7 : i32
    %sign3A_9 = arith.extui %sign3A_8 : i1 to i32
    %sign3A_10 = arith.constant 0 : i32
    %sign3A_11 = arith.cmpi slt, %jit3A, %sign3A_10 : i32
    %sign3A_12 = arith.extui %sign3A_11 : i1 to i32
    %sign3A_13 = arith.subi %sign3A_9, %sign3A_12 : i32
    %ne3A = arith.cmpi ne, %sign3A_6, %sign3A_13 : i32
    %rem3A = arith.remsi %add3A, %jit3A : i32
    %ne3A_14 = arith.constant 0 : i32
    %ne3A_15 = arith.cmpi ne, %rem3A, %ne3A_14 : i32
    %and3A = arith.andi %ne3A, %ne3A_15 : i1
    %sub3A = arith.constant 1 : i32
    %sub3A_16 = arith.subi %div3A, %sub3A : i32
    %select_n3A = arith.select %and3A, %sub3A_16, %div3A : i32
    %jit3A_17 = arith.constant 16 : i32
    %eq3A = arith.constant 0 : i32
    %eq3A_18 = arith.cmpi eq, %jit3A_17, %eq3A : i32
    %jit3A_19 = arith.constant 1 : i32
    %select_n3A_20 = arith.select %eq3A_18, %jit3A_19, %jit3A_17 : i32
    %rem3A_21 = arith.remsi %add3A, %select_n3A_20 : i32
    %ne3A_22 = arith.constant 0 : i32
    %ne3A_23 = arith.cmpi ne, %rem3A_21, %ne3A_22 : i32
    %lt3A = arith.constant 0 : i32
    %lt3A_24 = arith.cmpi slt, %rem3A_21, %lt3A : i32
    %lt3A_25 = arith.constant 0 : i32
    %lt3A_26 = arith.cmpi slt, %select_n3A_20, %lt3A_25 : i32
    %ne3A_27 = arith.xori %lt3A_24, %lt3A_26 : i1
    %and3A_28 = arith.andi %ne3A_27, %ne3A_23 : i1
    %add3A_29 = arith.addi %rem3A_21, %select_n3A_20 : i32
    %select_n3A_30 = arith.select %and3A_28, %add3A_29, %rem3A_21 : i32
    %mul3A_31 = arith.constant 128 : i32
    %mul3A_32 = arith.muli %select_n3A_30, %mul3A_31 : i32
    %multiple_of3A = tpu.assume_multiple %mul3A_32, 8 : i32
    %add3A_33 = arith.constant 64 : i32
    %add3A_34 = arith.addi %mul3A_32, %add3A_33 : i32
    %multiple_of3A_35 = tpu.assume_multiple %add3A_34, 8 : i32
    %mul3A_36 = arith.constant 768 : i32
    %mul3A_37 = arith.muli %select_n3A, %mul3A_36 : i32
    %multiple_of3A_38 = tpu.assume_multiple %mul3A_37, 8 : i32
    "tpu.region"() ({
      %run_scoped3A = tpu.sem_alloc : memref<!tpu.dma_semaphore, #tpu.memory_space<semaphore_mem>>
      %dma_start3A_49 = tpu.memref_slice %arg3[%select_n3A, %multiple_of3A] : memref<8x2048xi32, #tpu.memory_space<hbm>> -> memref<1x64xi32, #tpu.memory_space<hbm>>
      %dma_start3A_50 = tpu.memref_squeeze %dma_start3A_49 : memref<1x64xi32, #tpu.memory_space<hbm>> -> memref<64xi32, #tpu.memory_space<hbm>>
      %dma_start3A_51 = tpu.memref_slice %arg3[%select_n3A, %multiple_of3A] : memref<8x2048xi32, #tpu.memory_space<hbm>> -> memref<1x64xi32, #tpu.memory_space<hbm>>
      %dma_start3A_52 = tpu.memref_squeeze %dma_start3A_51 : memref<1x64xi32, #tpu.memory_space<hbm>> -> memref<64xi32, #tpu.memory_space<hbm>>
      tpu.enqueue_dma source(%dma_start3A_52 : memref<64xi32, #tpu.memory_space<hbm>>) target(%arg5 : memref<64xi32, #tpu.memory_space<vmem>>) target_semaphore(%run_scoped3A : memref<!tpu.dma_semaphore, #tpu.memory_space<semaphore_mem>>)
      %dma_wait3A_53 = tpu.memref_slice %arg3[%select_n3A, %multiple_of3A] : memref<8x2048xi32, #tpu.memory_space<hbm>> -> memref<1x64xi32, #tpu.memory_space<hbm>>
      %dma_wait3A_54 = tpu.memref_squeeze %dma_wait3A_53 : memref<1x64xi32, #tpu.memory_space<hbm>> -> memref<64xi32, #tpu.memory_space<hbm>>
      %dma_wait3A_55 = tpu.memref_slice %arg3[%select_n3A, %multiple_of3A] : memref<8x2048xi32, #tpu.memory_space<hbm>> -> memref<1x64xi32, #tpu.memory_space<hbm>>
      %dma_wait3A_56 = tpu.memref_squeeze %dma_wait3A_55 : memref<1x64xi32, #tpu.memory_space<hbm>> -> memref<64xi32, #tpu.memory_space<hbm>>
      tpu.wait_dma2 semaphore(%run_scoped3A : memref<!tpu.dma_semaphore, #tpu.memory_space<semaphore_mem>>) src(%dma_wait3A_56 : memref<64xi32, #tpu.memory_space<hbm>>) dst(%arg5 : memref<64xi32, #tpu.memory_space<vmem>>)
      tpu.yield
    }) : () -> ()
    "tpu.region"() ({
      %run_scoped3A = tpu.sem_alloc : memref<!tpu.dma_semaphore, #tpu.memory_space<semaphore_mem>>
      %dma_start3A_49 = tpu.memref_slice %arg3[%select_n3A, %multiple_of3A_35] : memref<8x2048xi32, #tpu.memory_space<hbm>> -> memref<1x64xi32, #tpu.memory_space<hbm>>
      %dma_start3A_50 = tpu.memref_squeeze %dma_start3A_49 : memref<1x64xi32, #tpu.memory_space<hbm>> -> memref<64xi32, #tpu.memory_space<hbm>>
      %dma_start3A_51 = tpu.memref_slice %arg3[%select_n3A, %multiple_of3A_35] : memref<8x2048xi32, #tpu.memory_space<hbm>> -> memref<1x64xi32, #tpu.memory_space<hbm>>
      %dma_start3A_52 = tpu.memref_squeeze %dma_start3A_51 : memref<1x64xi32, #tpu.memory_space<hbm>> -> memref<64xi32, #tpu.memory_space<hbm>>
      tpu.enqueue_dma source(%dma_start3A_52 : memref<64xi32, #tpu.memory_space<hbm>>) target(%arg6 : memref<64xi32, #tpu.memory_space<vmem>>) target_semaphore(%run_scoped3A : memref<!tpu.dma_semaphore, #tpu.memory_space<semaphore_mem>>)
      %dma_wait3A_53 = tpu.memref_slice %arg3[%select_n3A, %multiple_of3A_35] : memref<8x2048xi32, #tpu.memory_space<hbm>> -> memref<1x64xi32, #tpu.memory_space<hbm>>
      %dma_wait3A_54 = tpu.memref_squeeze %dma_wait3A_53 : memref<1x64xi32, #tpu.memory_space<hbm>> -> memref<64xi32, #tpu.memory_space<hbm>>
      %dma_wait3A_55 = tpu.memref_slice %arg3[%select_n3A, %multiple_of3A_35] : memref<8x2048xi32, #tpu.memory_space<hbm>> -> memref<1x64xi32, #tpu.memory_space<hbm>>
      %dma_wait3A_56 = tpu.memref_squeeze %dma_wait3A_55 : memref<1x64xi32, #tpu.memory_space<hbm>> -> memref<64xi32, #tpu.memory_space<hbm>>
      tpu.wait_dma2 semaphore(%run_scoped3A : memref<!tpu.dma_semaphore, #tpu.memory_space<semaphore_mem>>) src(%dma_wait3A_56 : memref<64xi32, #tpu.memory_space<hbm>>) dst(%arg6 : memref<64xi32, #tpu.memory_space<vmem>>)
      tpu.yield
    }) : () -> ()
    %dma_start3A = arith.constant 0 : i32
    %dma_start3A_39 = arith.constant 0 : i32
    %dma_start3A_40 = tpu.memref_slice %arg2[%dma_start3A, %dma_start3A_39] : memref<6144x768xf32, #tpu.memory_space<hbm>> -> memref<6144x768xf32, #tpu.memory_space<hbm>>
    tpu.enqueue_indirect_dma source(%dma_start3A_40 : memref<6144x768xf32, #tpu.memory_space<hbm>>) target(%arg7 : memref<64x768xf32, #tpu.memory_space<vmem>>) offsets(%arg5 : memref<64xi32, #tpu.memory_space<vmem>>) semaphore(%arg9 : memref<!tpu.dma_semaphore, #tpu.memory_space<semaphore_mem>>)
    %dma_start3A_41 = arith.constant 0 : i32
    %dma_start3A_42 = arith.constant 0 : i32
    %dma_start3A_43 = tpu.memref_slice %arg2[%dma_start3A_41, %dma_start3A_42] : memref<6144x768xf32, #tpu.memory_space<hbm>> -> memref<6144x768xf32, #tpu.memory_space<hbm>>
    tpu.enqueue_indirect_dma source(%dma_start3A_43 : memref<6144x768xf32, #tpu.memory_space<hbm>>) target(%arg8 : memref<64x768xf32, #tpu.memory_space<vmem>>) offsets(%arg6 : memref<64xi32, #tpu.memory_space<vmem>>) semaphore(%arg10 : memref<!tpu.dma_semaphore, #tpu.memory_space<semaphore_mem>>)
    %dma_wait3A = arith.constant 0 : i32
    %dma_wait3A_44 = arith.constant 0 : i32
    %dma_wait3A_45 = tpu.memref_slice %arg2[%dma_wait3A, %dma_wait3A_44] : memref<6144x768xf32, #tpu.memory_space<hbm>> -> memref<6144x768xf32, #tpu.memory_space<hbm>>
    tpu.wait_indirect_dma semaphore(%arg9 : memref<!tpu.dma_semaphore, #tpu.memory_space<semaphore_mem>>) src(%dma_wait3A_45 : memref<6144x768xf32, #tpu.memory_space<hbm>>) dst(%arg7 : memref<64x768xf32, #tpu.memory_space<vmem>>)
    "tpu.region"() ({
      %run_scoped3A = tpu.sem_alloc : memref<!tpu.dma_semaphore, #tpu.memory_space<semaphore_mem>>
      %dma_start3A_49 = tpu.memref_slice %arg4[%multiple_of3A, %multiple_of3A_38] : memref<2048x1536xf32, #tpu.memory_space<hbm>> -> memref<64x768xf32, #tpu.memory_space<hbm>>
      %dma_start3A_50 = tpu.memref_slice %arg4[%multiple_of3A, %multiple_of3A_38] : memref<2048x1536xf32, #tpu.memory_space<hbm>> -> memref<64x768xf32, #tpu.memory_space<hbm>>
      tpu.enqueue_dma source(%arg7 : memref<64x768xf32, #tpu.memory_space<vmem>>) target(%dma_start3A_50 : memref<64x768xf32, #tpu.memory_space<hbm>>) target_semaphore(%run_scoped3A : memref<!tpu.dma_semaphore, #tpu.memory_space<semaphore_mem>>)
      %dma_wait3A_51 = tpu.memref_slice %arg4[%multiple_of3A, %multiple_of3A_38] : memref<2048x1536xf32, #tpu.memory_space<hbm>> -> memref<64x768xf32, #tpu.memory_space<hbm>>
      %dma_wait3A_52 = tpu.memref_slice %arg4[%multiple_of3A, %multiple_of3A_38] : memref<2048x1536xf32, #tpu.memory_space<hbm>> -> memref<64x768xf32, #tpu.memory_space<hbm>>
      tpu.wait_dma2 semaphore(%run_scoped3A : memref<!tpu.dma_semaphore, #tpu.memory_space<semaphore_mem>>) src(%arg7 : memref<64x768xf32, #tpu.memory_space<vmem>>) dst(%dma_wait3A_52 : memref<64x768xf32, #tpu.memory_space<hbm>>)
      tpu.yield
    }) : () -> ()
    %dma_wait3A_46 = arith.constant 0 : i32
    %dma_wait3A_47 = arith.constant 0 : i32
    %dma_wait3A_48 = tpu.memref_slice %arg2[%dma_wait3A_46, %dma_wait3A_47] : memref<6144x768xf32, #tpu.memory_space<hbm>> -> memref<6144x768xf32, #tpu.memory_space<hbm>>
    tpu.wait_indirect_dma semaphore(%arg10 : memref<!tpu.dma_semaphore, #tpu.memory_space<semaphore_mem>>) src(%dma_wait3A_48 : memref<6144x768xf32, #tpu.memory_space<hbm>>) dst(%arg8 : memref<64x768xf32, #tpu.memory_space<vmem>>)
    "tpu.region"() ({
      %run_scoped3A = tpu.sem_alloc : memref<!tpu.dma_semaphore, #tpu.memory_space<semaphore_mem>>
      %dma_start3A_49 = tpu.memref_slice %arg4[%multiple_of3A_35, %multiple_of3A_38] : memref<2048x1536xf32, #tpu.memory_space<hbm>> -> memref<64x768xf32, #tpu.memory_space<hbm>>
      %dma_start3A_50 = tpu.memref_slice %arg4[%multiple_of3A_35, %multiple_of3A_38] : memref<2048x1536xf32, #tpu.memory_space<hbm>> -> memref<64x768xf32, #tpu.memory_space<hbm>>
      tpu.enqueue_dma source(%arg8 : memref<64x768xf32, #tpu.memory_space<vmem>>) target(%dma_start3A_50 : memref<64x768xf32, #tpu.memory_space<hbm>>) target_semaphore(%run_scoped3A : memref<!tpu.dma_semaphore, #tpu.memory_space<semaphore_mem>>)
      %dma_wait3A_51 = tpu.memref_slice %arg4[%multiple_of3A_35, %multiple_of3A_38] : memref<2048x1536xf32, #tpu.memory_space<hbm>> -> memref<64x768xf32, #tpu.memory_space<hbm>>
      %dma_wait3A_52 = tpu.memref_slice %arg4[%multiple_of3A_35, %multiple_of3A_38] : memref<2048x1536xf32, #tpu.memory_space<hbm>> -> memref<64x768xf32, #tpu.memory_space<hbm>>
      tpu.wait_dma2 semaphore(%run_scoped3A : memref<!tpu.dma_semaphore, #tpu.memory_space<semaphore_mem>>) src(%arg8 : memref<64x768xf32, #tpu.memory_space<vmem>>) dst(%dma_wait3A_52 : memref<64x768xf32, #tpu.memory_space<hbm>>)
      tpu.yield
    }) : () -> ()
    return
  }
}

#map = affine_map<(d0, d1) -> (0, 0)>
module attributes {stable_mosaic.version = 14 : i64} {
  func.func @_scatter_rows(%arg0: i32, %arg1: i32, %arg2: memref<2048x768xf32, #tpu.memory_space<hbm>>, %arg3: memref<8x2048xi32, #tpu.memory_space<hbm>>, %arg4: memref<6144x768xf32, #tpu.memory_space<hbm>>, %arg5: memref<64xi32, #tpu.memory_space<vmem>>, %arg6: memref<64xi32, #tpu.memory_space<vmem>>, %arg7: memref<64x768xf32, #tpu.memory_space<vmem>>, %arg8: memref<64x768xf32, #tpu.memory_space<vmem>>, %arg9: memref<!tpu.dma_semaphore, #tpu.memory_space<semaphore_mem>>, %arg10: memref<!tpu.dma_semaphore, #tpu.memory_space<semaphore_mem>>) attributes {dimension_semantics = [#tpu.dimension_semantics<core_parallel>, #tpu.dimension_semantics<subcore_parallel>], iteration_bounds = array<i64: 2, 16>, scalar_prefetch = 0 : i64, scratch_operands = 6 : i64, tpu.core_type = #tpu.core_type<sc_vector_subcore>, window_params = [{transform_indices = #map}, {transform_indices = #map}, {transform_indices = #map}]} {
    %mul3A = arith.constant 2 : i32
    %mul3A_0 = arith.muli %arg1, %mul3A : i32
    %add3A = arith.addi %mul3A_0, %arg0 : i32
    %jit3A = arith.constant 16 : i32
    %div3A = arith.divsi %add3A, %jit3A : i32
    %sign3A = arith.constant 0 : i32
    %sign3A_1 = arith.cmpi sgt, %add3A, %sign3A : i32
    %sign3A_2 = arith.extui %sign3A_1 : i1 to i32
    %sign3A_3 = arith.constant 0 : i32
    %sign3A_4 = arith.cmpi slt, %add3A, %sign3A_3 : i32
    %sign3A_5 = arith.extui %sign3A_4 : i1 to i32
    %sign3A_6 = arith.subi %sign3A_2, %sign3A_5 : i32
    %sign3A_7 = arith.constant 0 : i32
    %sign3A_8 = arith.cmpi sgt, %jit3A, %sign3A_7 : i32
    %sign3A_9 = arith.extui %sign3A_8 : i1 to i32
    %sign3A_10 = arith.constant 0 : i32
    %sign3A_11 = arith.cmpi slt, %jit3A, %sign3A_10 : i32
    %sign3A_12 = arith.extui %sign3A_11 : i1 to i32
    %sign3A_13 = arith.subi %sign3A_9, %sign3A_12 : i32
    %ne3A = arith.cmpi ne, %sign3A_6, %sign3A_13 : i32
    %rem3A = arith.remsi %add3A, %jit3A : i32
    %ne3A_14 = arith.constant 0 : i32
    %ne3A_15 = arith.cmpi ne, %rem3A, %ne3A_14 : i32
    %and3A = arith.andi %ne3A, %ne3A_15 : i1
    %sub3A = arith.constant 1 : i32
    %sub3A_16 = arith.subi %div3A, %sub3A : i32
    %select_n3A = arith.select %and3A, %sub3A_16, %div3A : i32
    %jit3A_17 = arith.constant 16 : i32
    %eq3A = arith.constant 0 : i32
    %eq3A_18 = arith.cmpi eq, %jit3A_17, %eq3A : i32
    %jit3A_19 = arith.constant 1 : i32
    %select_n3A_20 = arith.select %eq3A_18, %jit3A_19, %jit3A_17 : i32
    %rem3A_21 = arith.remsi %add3A, %select_n3A_20 : i32
    %ne3A_22 = arith.constant 0 : i32
    %ne3A_23 = arith.cmpi ne, %rem3A_21, %ne3A_22 : i32
    %lt3A = arith.constant 0 : i32
    %lt3A_24 = arith.cmpi slt, %rem3A_21, %lt3A : i32
    %lt3A_25 = arith.constant 0 : i32
    %lt3A_26 = arith.cmpi slt, %select_n3A_20, %lt3A_25 : i32
    %ne3A_27 = arith.xori %lt3A_24, %lt3A_26 : i1
    %and3A_28 = arith.andi %ne3A_27, %ne3A_23 : i1
    %add3A_29 = arith.addi %rem3A_21, %select_n3A_20 : i32
    %select_n3A_30 = arith.select %and3A_28, %add3A_29, %rem3A_21 : i32
    %mul3A_31 = arith.constant 128 : i32
    %mul3A_32 = arith.muli %select_n3A_30, %mul3A_31 : i32
    %multiple_of3A = tpu.assume_multiple %mul3A_32, 8 : i32
    %add3A_33 = arith.constant 64 : i32
    %add3A_34 = arith.addi %mul3A_32, %add3A_33 : i32
    %multiple_of3A_35 = tpu.assume_multiple %add3A_34, 8 : i32
    "tpu.region"() ({
      %run_scoped3A = tpu.sem_alloc : memref<!tpu.dma_semaphore, #tpu.memory_space<semaphore_mem>>
      %dma_start3A_46 = tpu.memref_slice %arg3[%select_n3A, %multiple_of3A] : memref<8x2048xi32, #tpu.memory_space<hbm>> -> memref<1x64xi32, #tpu.memory_space<hbm>>
      %dma_start3A_47 = tpu.memref_squeeze %dma_start3A_46 : memref<1x64xi32, #tpu.memory_space<hbm>> -> memref<64xi32, #tpu.memory_space<hbm>>
      %dma_start3A_48 = tpu.memref_slice %arg3[%select_n3A, %multiple_of3A] : memref<8x2048xi32, #tpu.memory_space<hbm>> -> memref<1x64xi32, #tpu.memory_space<hbm>>
      %dma_start3A_49 = tpu.memref_squeeze %dma_start3A_48 : memref<1x64xi32, #tpu.memory_space<hbm>> -> memref<64xi32, #tpu.memory_space<hbm>>
      tpu.enqueue_dma source(%dma_start3A_49 : memref<64xi32, #tpu.memory_space<hbm>>) target(%arg5 : memref<64xi32, #tpu.memory_space<vmem>>) target_semaphore(%run_scoped3A : memref<!tpu.dma_semaphore, #tpu.memory_space<semaphore_mem>>)
      %dma_wait3A_50 = tpu.memref_slice %arg3[%select_n3A, %multiple_of3A] : memref<8x2048xi32, #tpu.memory_space<hbm>> -> memref<1x64xi32, #tpu.memory_space<hbm>>
      %dma_wait3A_51 = tpu.memref_squeeze %dma_wait3A_50 : memref<1x64xi32, #tpu.memory_space<hbm>> -> memref<64xi32, #tpu.memory_space<hbm>>
      %dma_wait3A_52 = tpu.memref_slice %arg3[%select_n3A, %multiple_of3A] : memref<8x2048xi32, #tpu.memory_space<hbm>> -> memref<1x64xi32, #tpu.memory_space<hbm>>
      %dma_wait3A_53 = tpu.memref_squeeze %dma_wait3A_52 : memref<1x64xi32, #tpu.memory_space<hbm>> -> memref<64xi32, #tpu.memory_space<hbm>>
      tpu.wait_dma2 semaphore(%run_scoped3A : memref<!tpu.dma_semaphore, #tpu.memory_space<semaphore_mem>>) src(%dma_wait3A_53 : memref<64xi32, #tpu.memory_space<hbm>>) dst(%arg5 : memref<64xi32, #tpu.memory_space<vmem>>)
      tpu.yield
    }) : () -> ()
    "tpu.region"() ({
      %run_scoped3A = tpu.sem_alloc : memref<!tpu.dma_semaphore, #tpu.memory_space<semaphore_mem>>
      %dma_start3A_46 = tpu.memref_slice %arg3[%select_n3A, %multiple_of3A_35] : memref<8x2048xi32, #tpu.memory_space<hbm>> -> memref<1x64xi32, #tpu.memory_space<hbm>>
      %dma_start3A_47 = tpu.memref_squeeze %dma_start3A_46 : memref<1x64xi32, #tpu.memory_space<hbm>> -> memref<64xi32, #tpu.memory_space<hbm>>
      %dma_start3A_48 = tpu.memref_slice %arg3[%select_n3A, %multiple_of3A_35] : memref<8x2048xi32, #tpu.memory_space<hbm>> -> memref<1x64xi32, #tpu.memory_space<hbm>>
      %dma_start3A_49 = tpu.memref_squeeze %dma_start3A_48 : memref<1x64xi32, #tpu.memory_space<hbm>> -> memref<64xi32, #tpu.memory_space<hbm>>
      tpu.enqueue_dma source(%dma_start3A_49 : memref<64xi32, #tpu.memory_space<hbm>>) target(%arg6 : memref<64xi32, #tpu.memory_space<vmem>>) target_semaphore(%run_scoped3A : memref<!tpu.dma_semaphore, #tpu.memory_space<semaphore_mem>>)
      %dma_wait3A_50 = tpu.memref_slice %arg3[%select_n3A, %multiple_of3A_35] : memref<8x2048xi32, #tpu.memory_space<hbm>> -> memref<1x64xi32, #tpu.memory_space<hbm>>
      %dma_wait3A_51 = tpu.memref_squeeze %dma_wait3A_50 : memref<1x64xi32, #tpu.memory_space<hbm>> -> memref<64xi32, #tpu.memory_space<hbm>>
      %dma_wait3A_52 = tpu.memref_slice %arg3[%select_n3A, %multiple_of3A_35] : memref<8x2048xi32, #tpu.memory_space<hbm>> -> memref<1x64xi32, #tpu.memory_space<hbm>>
      %dma_wait3A_53 = tpu.memref_squeeze %dma_wait3A_52 : memref<1x64xi32, #tpu.memory_space<hbm>> -> memref<64xi32, #tpu.memory_space<hbm>>
      tpu.wait_dma2 semaphore(%run_scoped3A : memref<!tpu.dma_semaphore, #tpu.memory_space<semaphore_mem>>) src(%dma_wait3A_53 : memref<64xi32, #tpu.memory_space<hbm>>) dst(%arg6 : memref<64xi32, #tpu.memory_space<vmem>>)
      tpu.yield
    }) : () -> ()
    "tpu.region"() ({
      %run_scoped3A = tpu.sem_alloc : memref<!tpu.dma_semaphore, #tpu.memory_space<semaphore_mem>>
      %dma_start3A_46 = arith.constant 0 : i32
      %dma_start3A_47 = tpu.memref_slice %arg2[%multiple_of3A, %dma_start3A_46] : memref<2048x768xf32, #tpu.memory_space<hbm>> -> memref<64x768xf32, #tpu.memory_space<hbm>>
      %dma_start3A_48 = arith.constant 0 : i32
      %dma_start3A_49 = tpu.memref_slice %arg2[%multiple_of3A, %dma_start3A_48] : memref<2048x768xf32, #tpu.memory_space<hbm>> -> memref<64x768xf32, #tpu.memory_space<hbm>>
      tpu.enqueue_dma source(%dma_start3A_49 : memref<64x768xf32, #tpu.memory_space<hbm>>) target(%arg7 : memref<64x768xf32, #tpu.memory_space<vmem>>) target_semaphore(%run_scoped3A : memref<!tpu.dma_semaphore, #tpu.memory_space<semaphore_mem>>)
      %dma_wait3A_50 = arith.constant 0 : i32
      %dma_wait3A_51 = tpu.memref_slice %arg2[%multiple_of3A, %dma_wait3A_50] : memref<2048x768xf32, #tpu.memory_space<hbm>> -> memref<64x768xf32, #tpu.memory_space<hbm>>
      %dma_wait3A_52 = arith.constant 0 : i32
      %dma_wait3A_53 = tpu.memref_slice %arg2[%multiple_of3A, %dma_wait3A_52] : memref<2048x768xf32, #tpu.memory_space<hbm>> -> memref<64x768xf32, #tpu.memory_space<hbm>>
      tpu.wait_dma2 semaphore(%run_scoped3A : memref<!tpu.dma_semaphore, #tpu.memory_space<semaphore_mem>>) src(%dma_wait3A_53 : memref<64x768xf32, #tpu.memory_space<hbm>>) dst(%arg7 : memref<64x768xf32, #tpu.memory_space<vmem>>)
      tpu.yield
    }) : () -> ()
    %dma_start3A = arith.constant 0 : i32
    %dma_start3A_36 = arith.constant 0 : i32
    %dma_start3A_37 = tpu.memref_slice %arg4[%dma_start3A, %dma_start3A_36] : memref<6144x768xf32, #tpu.memory_space<hbm>> -> memref<6144x768xf32, #tpu.memory_space<hbm>>
    tpu.enqueue_indirect_dma source(%arg7 : memref<64x768xf32, #tpu.memory_space<vmem>>) target(%dma_start3A_37 : memref<6144x768xf32, #tpu.memory_space<hbm>>) offsets(%arg5 : memref<64xi32, #tpu.memory_space<vmem>>) semaphore(%arg9 : memref<!tpu.dma_semaphore, #tpu.memory_space<semaphore_mem>>)
    "tpu.region"() ({
      %run_scoped3A = tpu.sem_alloc : memref<!tpu.dma_semaphore, #tpu.memory_space<semaphore_mem>>
      %dma_start3A_46 = arith.constant 0 : i32
      %dma_start3A_47 = tpu.memref_slice %arg2[%multiple_of3A_35, %dma_start3A_46] : memref<2048x768xf32, #tpu.memory_space<hbm>> -> memref<64x768xf32, #tpu.memory_space<hbm>>
      %dma_start3A_48 = arith.constant 0 : i32
      %dma_start3A_49 = tpu.memref_slice %arg2[%multiple_of3A_35, %dma_start3A_48] : memref<2048x768xf32, #tpu.memory_space<hbm>> -> memref<64x768xf32, #tpu.memory_space<hbm>>
      tpu.enqueue_dma source(%dma_start3A_49 : memref<64x768xf32, #tpu.memory_space<hbm>>) target(%arg8 : memref<64x768xf32, #tpu.memory_space<vmem>>) target_semaphore(%run_scoped3A : memref<!tpu.dma_semaphore, #tpu.memory_space<semaphore_mem>>)
      %dma_wait3A_50 = arith.constant 0 : i32
      %dma_wait3A_51 = tpu.memref_slice %arg2[%multiple_of3A_35, %dma_wait3A_50] : memref<2048x768xf32, #tpu.memory_space<hbm>> -> memref<64x768xf32, #tpu.memory_space<hbm>>
      %dma_wait3A_52 = arith.constant 0 : i32
      %dma_wait3A_53 = tpu.memref_slice %arg2[%multiple_of3A_35, %dma_wait3A_52] : memref<2048x768xf32, #tpu.memory_space<hbm>> -> memref<64x768xf32, #tpu.memory_space<hbm>>
      tpu.wait_dma2 semaphore(%run_scoped3A : memref<!tpu.dma_semaphore, #tpu.memory_space<semaphore_mem>>) src(%dma_wait3A_53 : memref<64x768xf32, #tpu.memory_space<hbm>>) dst(%arg8 : memref<64x768xf32, #tpu.memory_space<vmem>>)
      tpu.yield
    }) : () -> ()
    %dma_start3A_38 = arith.constant 0 : i32
    %dma_start3A_39 = arith.constant 0 : i32
    %dma_start3A_40 = tpu.memref_slice %arg4[%dma_start3A_38, %dma_start3A_39] : memref<6144x768xf32, #tpu.memory_space<hbm>> -> memref<6144x768xf32, #tpu.memory_space<hbm>>
    tpu.enqueue_indirect_dma source(%arg8 : memref<64x768xf32, #tpu.memory_space<vmem>>) target(%dma_start3A_40 : memref<6144x768xf32, #tpu.memory_space<hbm>>) offsets(%arg6 : memref<64xi32, #tpu.memory_space<vmem>>) semaphore(%arg10 : memref<!tpu.dma_semaphore, #tpu.memory_space<semaphore_mem>>)
    %dma_wait3A = arith.constant 0 : i32
    %dma_wait3A_41 = arith.constant 0 : i32
    %dma_wait3A_42 = tpu.memref_slice %arg4[%dma_wait3A, %dma_wait3A_41] : memref<6144x768xf32, #tpu.memory_space<hbm>> -> memref<6144x768xf32, #tpu.memory_space<hbm>>
    tpu.wait_indirect_dma semaphore(%arg9 : memref<!tpu.dma_semaphore, #tpu.memory_space<semaphore_mem>>) src(%arg7 : memref<64x768xf32, #tpu.memory_space<vmem>>) dst(%dma_wait3A_42 : memref<6144x768xf32, #tpu.memory_space<hbm>>)
    %dma_wait3A_43 = arith.constant 0 : i32
    %dma_wait3A_44 = arith.constant 0 : i32
    %dma_wait3A_45 = tpu.memref_slice %arg4[%dma_wait3A_43, %dma_wait3A_44] : memref<6144x768xf32, #tpu.memory_space<hbm>> -> memref<6144x768xf32, #tpu.memory_space<hbm>>
    tpu.wait_indirect_dma semaphore(%arg10 : memref<!tpu.dma_semaphore, #tpu.memory_space<semaphore_mem>>) src(%arg8 : memref<64x768xf32, #tpu.memory_space<vmem>>) dst(%dma_wait3A_45 : memref<6144x768xf32, #tpu.memory_space<hbm>>)
    return
  }
}

module attributes {stable_mosaic.version = 14 : i64} {
  func.func @_comb_body(%arg0: i32, %arg1: memref<512x1536xf32, #tpu.memory_space<vmem>>, %arg2: memref<512x2xf32, #tpu.memory_space<vmem>>, %arg3: memref<512x768xf32, #tpu.memory_space<vmem>>) attributes {dimension_semantics = [#tpu.dimension_semantics<arbitrary>], iteration_bounds = array<i64: 4>, scalar_prefetch = 0 : i64, scratch_operands = 0 : i64, tpu.core_type = #tpu.core_type<tc>, window_params = [{transform_indices = @transform_0, window_bounds = array<i64: 512, 1536>}, {transform_indices = @transform_1, window_bounds = array<i64: 512, 2>}, {transform_indices = @transform_2, window_bounds = array<i64: 512, 768>}]} {
    %get3A = arith.constant 0 : index
    %get3A_0 = arith.constant 0 : index
    %get3A_1 = vector.load %arg1[%get3A, %get3A_0] : memref<512x1536xf32, #tpu.memory_space<vmem>>, vector<512x1536xf32>
    %get3A_2 = arith.constant 0 : index
    %get3A_3 = arith.constant 0 : index
    %get3A_4 = vector.load %arg2[%get3A_2, %get3A_3] : memref<512x2xf32, #tpu.memory_space<vmem>>, vector<512x2xf32>
    %slice3A = vector.extract_strided_slice %get3A_1 {offsets = [0, 0], sizes = [512, 768], strides = [1, 1]} : vector<512x1536xf32> to vector<512x768xf32>
    %slice3A_5 = vector.extract_strided_slice %get3A_4 {offsets = [0, 0], sizes = [512, 1], strides = [1, 1]} : vector<512x2xf32> to vector<512x1xf32>
    %mul3A = vector.broadcast %slice3A_5 : vector<512x1xf32> to vector<512x768xf32>
    %mul3A_6 = arith.mulf %slice3A, %mul3A : vector<512x768xf32>
    %slice3A_7 = vector.extract_strided_slice %get3A_1 {offsets = [0, 768], sizes = [512, 768], strides = [1, 1]} : vector<512x1536xf32> to vector<512x768xf32>
    %slice3A_8 = vector.extract_strided_slice %get3A_4 {offsets = [0, 1], sizes = [512, 1], strides = [1, 1]} : vector<512x2xf32> to vector<512x1xf32>
    %mul3A_9 = vector.broadcast %slice3A_8 : vector<512x1xf32> to vector<512x768xf32>
    %mul3A_10 = arith.mulf %slice3A_7, %mul3A_9 : vector<512x768xf32>
    %add3A = arith.addf %mul3A_6, %mul3A_10 : vector<512x768xf32>
    %swap3A = arith.constant 0 : index
    %swap3A_11 = arith.constant 0 : index
    %swap3A_12 = vector.load %arg3[%swap3A, %swap3A_11] : memref<512x768xf32, #tpu.memory_space<vmem>>, vector<512x768xf32>
    tpu.vector_store %arg3[%swap3A, %swap3A_11], %add3A {strides = array<i32>} : memref<512x768xf32, #tpu.memory_space<vmem>>, vector<512x768xf32>,
    return
  }
  func.func @transform_0(%arg0: i32) -> (i32, i32) {
    %c0_i32 = arith.constant 0 : i32
    %c0_i32_0 = arith.constant 0 : i32
    return %arg0, %c0_i32 : i32, i32
  }
  func.func @transform_1(%arg0: i32) -> (i32, i32) {
    %c0_i32 = arith.constant 0 : i32
    %c0_i32_0 = arith.constant 0 : i32
    return %arg0, %c0_i32 : i32, i32
  }
  func.func @transform_2(%arg0: i32) -> (i32, i32) {
    %c0_i32 = arith.constant 0 : i32
    %c0_i32_0 = arith.constant 0 : i32
    return %arg0, %c0_i32 : i32, i32
  }
}

module attributes {stable_mosaic.version = 14 : i64} {
  func.func @_mlp_body(%arg0: i32, %arg1: memref<32x3xi32, #tpu.memory_space<smem>>, %arg2: memref<256x768xf32, #tpu.memory_space<vmem>>, %arg3: memref<768x1536xf32, #tpu.memory_space<vmem>>, %arg4: memref<1536x768xf32, #tpu.memory_space<vmem>>, %arg5: memref<256x768xf32, #tpu.memory_space<vmem>>) attributes {dimension_semantics = [#tpu.dimension_semantics<arbitrary>], iteration_bounds = array<i64: 24>, scalar_prefetch = 1 : i64, scratch_operands = 0 : i64, tpu.core_type = #tpu.core_type<tc>, window_params = [{transform_indices = @transform_0, window_bounds = array<i64: 256, 768>}, {transform_indices = @transform_1, window_bounds = array<i64: 768, 1536>}, {transform_indices = @transform_2, window_bounds = array<i64: 1536, 768>}, {transform_indices = @transform_3, window_bounds = array<i64: 256, 768>}]} {
    %get3A = arith.index_cast %arg0 : i32 to index
    %get3A_0 = arith.constant 2 : index
    %get3A_1 = memref.load %arg1[%get3A, %get3A_0] : memref<32x3xi32, #tpu.memory_space<smem>>
    %eq3A = arith.constant 1 : i32
    %eq3A_2 = arith.cmpi eq, %get3A_1, %eq3A : i32
    %convert_element_type3A = arith.extui %eq3A_2 : i1 to i32
    %cond3A = arith.constant 0 : i32
    %cond3A_3 = arith.cmpi ne, %convert_element_type3A, %cond3A : i32
    scf.if %cond3A_3 {
      %get3A_4 = arith.constant 0 : index
      %get3A_5 = arith.constant 0 : index
      %get3A_6 = vector.load %arg2[%get3A_4, %get3A_5] : memref<256x768xf32, #tpu.memory_space<vmem>>, vector<256x768xf32>
      %get3A_7 = arith.constant 0 : index
      %get3A_8 = arith.constant 0 : index
      %get3A_9 = vector.load %arg3[%get3A_7, %get3A_8] : memref<768x1536xf32, #tpu.memory_space<vmem>>, vector<768x1536xf32>
      %dot_general3A = arith.constant dense<0.000000e+00> : vector<256x1536xf32>
      %dot_general3A_10 = tpu.matmul %get3A_6, %get3A_9, %dot_general3A {dimension_numbers = #tpu.dot_dimension_numbers<[1], [0], [0], [1], [0, 0, 1, 1], [], []>, transpose_lhs_hint = false} : vector<256x768xf32>, vector<768x1536xf32>, vector<256x1536xf32> -> vector<256x1536xf32>
      %mul3A = arith.constant 5.000000e-01 : f32
      %mul3A_11 = vector.broadcast %mul3A : f32 to vector<256x1536xf32>
      %mul3A_12 = arith.mulf %mul3A_11, %dot_general3A_10 : vector<256x1536xf32>
      %mul3A_13 = arith.constant 0.707106769 : f32
      %mul3A_14 = vector.broadcast %mul3A_13 : f32 to vector<256x1536xf32>
      %mul3A_15 = arith.mulf %dot_general3A_10, %mul3A_14 : vector<256x1536xf32>
      %erf3A = math.erf %mul3A_15 : vector<256x1536xf32>
      %add3A = arith.constant 1.000000e+00 : f32
      %add3A_16 = vector.broadcast %add3A : f32 to vector<256x1536xf32>
      %add3A_17 = arith.addf %add3A_16, %erf3A : vector<256x1536xf32>
      %mul3A_18 = arith.mulf %mul3A_12, %add3A_17 : vector<256x1536xf32>
      %get3A_19 = arith.constant 0 : index
      %get3A_20 = arith.constant 0 : index
      %get3A_21 = vector.load %arg4[%get3A_19, %get3A_20] : memref<1536x768xf32, #tpu.memory_space<vmem>>, vector<1536x768xf32>
      %dot_general3A_22 = arith.constant dense<0.000000e+00> : vector<256x768xf32>
      %dot_general3A_23 = tpu.matmul %mul3A_18, %get3A_21, %dot_general3A_22 {dimension_numbers = #tpu.dot_dimension_numbers<[1], [0], [0], [1], [0, 0, 1, 1], [], []>, transpose_lhs_hint = false} : vector<256x1536xf32>, vector<1536x768xf32>, vector<256x768xf32> -> vector<256x768xf32>
      %swap3A = arith.constant 0 : index
      %swap3A_24 = arith.constant 0 : index
      %swap3A_25 = vector.load %arg5[%swap3A, %swap3A_24] : memref<256x768xf32, #tpu.memory_space<vmem>>, vector<256x768xf32>
      tpu.vector_store %arg5[%swap3A, %swap3A_24], %dot_general3A_23 {strides = array<i32>} : memref<256x768xf32, #tpu.memory_space<vmem>>, vector<256x768xf32>,
    } else {
    }
    return
  }
  func.func @transform_0(%arg0: i32, %arg1: memref<32x3xi32, #tpu.memory_space<smem>>) -> (i32, i32) {
    %get3A = arith.index_cast %arg0 : i32 to index
    %get3A_0 = arith.constant 1 : index
    %get3A_1 = memref.load %arg1[%get3A, %get3A_0] : memref<32x3xi32, #tpu.memory_space<smem>>
    %c0_i32 = arith.constant 0 : i32
    %c0_i32_2 = arith.constant 0 : i32
    return %get3A_1, %c0_i32 : i32, i32
  }
  func.func @transform_1(%arg0: i32, %arg1: memref<32x3xi32, #tpu.memory_space<smem>>) -> (i32, i32) {
    %get3A = arith.index_cast %arg0 : i32 to index
    %get3A_0 = arith.constant 0 : index
    %get3A_1 = memref.load %arg1[%get3A, %get3A_0] : memref<32x3xi32, #tpu.memory_space<smem>>
    %c0_i32 = arith.constant 0 : i32
    %c0_i32_2 = arith.constant 0 : i32
    return %c0_i32, %get3A_1 : i32, i32
  }
  func.func @transform_2(%arg0: i32, %arg1: memref<32x3xi32, #tpu.memory_space<smem>>) -> (i32, i32) {
    %get3A = arith.index_cast %arg0 : i32 to index
    %get3A_0 = arith.constant 0 : index
    %get3A_1 = memref.load %arg1[%get3A, %get3A_0] : memref<32x3xi32, #tpu.memory_space<smem>>
    %c0_i32 = arith.constant 0 : i32
    %c0_i32_2 = arith.constant 0 : i32
    return %get3A_1, %c0_i32 : i32, i32
  }
  func.func @transform_3(%arg0: i32, %arg1: memref<32x3xi32, #tpu.memory_space<smem>>) -> (i32, i32) {
    %get3A = arith.index_cast %arg0 : i32 to index
    %get3A_0 = arith.constant 1 : index
    %get3A_1 = memref.load %arg1[%get3A, %get3A_0] : memref<32x3xi32, #tpu.memory_space<smem>>
    %c0_i32 = arith.constant 0 : i32
    %c0_i32_2 = arith.constant 0 : i32
    return %get3A_1, %c0_i32 : i32, i32
  }
}

module attributes {stable_mosaic.version = 14 : i64} {
  func.func @_route_body(%arg0: memref<2048x768xf32, #tpu.memory_space<vmem>>, %arg1: memref<8x768xf32, #tpu.memory_space<vmem>>, %arg2: memref<8x2048xi32, #tpu.memory_space<vmem>>, %arg3: memref<2048x2xf32, #tpu.memory_space<vmem>>, %arg4: memref<32x3xi32, #tpu.memory_space<vmem>>) attributes {dimension_semantics = [], scalar_prefetch = 0 : i64, scratch_operands = 0 : i64, tpu.core_type = #tpu.core_type<tc>} {
    %get3A = arith.constant 0 : index
    %get3A_0 = arith.constant 0 : index
    %get3A_1 = vector.load %arg0[%get3A, %get3A_0] : memref<2048x768xf32, #tpu.memory_space<vmem>>, vector<2048x768xf32>
    %get3A_2 = arith.constant 0 : index
    %get3A_3 = arith.constant 0 : index
    %get3A_4 = vector.load %arg1[%get3A_2, %get3A_3] : memref<8x768xf32, #tpu.memory_space<vmem>>, vector<8x768xf32>
    %dot_general3A = arith.constant dense<0.000000e+00> : vector<2048x8xf32>
    %dot_general3A_5 = tpu.matmul %get3A_1, %get3A_4, %dot_general3A {dimension_numbers = #tpu.dot_dimension_numbers<[1], [1], [0], [0], [0, 0, 1, 0], [], []>, transpose_lhs_hint = false} : vector<2048x768xf32>, vector<8x768xf32>, vector<2048x8xf32> -> vector<2048x8xf32>
    %reduce_max3A = arith.constant dense<0xFF800000> : vector<2048xf32>
    %reduce_max3A_6 = vector.multi_reduction <maximumf>, %dot_general3A_5, %reduce_max3A [1] : vector<2048x8xf32> to vector<2048xf32>
    %broadcast_in_dim3A = vector.shape_cast %reduce_max3A_6 : vector<2048xf32> to vector<2048x1xf32>
    %sub3A = vector.broadcast %broadcast_in_dim3A : vector<2048x1xf32> to vector<2048x8xf32>
    %sub3A_7 = arith.subf %dot_general3A_5, %sub3A : vector<2048x8xf32>
    %exp3A = math.exp %sub3A_7 : vector<2048x8xf32>
    %reduce_sum3A = arith.constant dense<0.000000e+00> : vector<2048xf32>
    %reduce_sum3A_8 = vector.multi_reduction <add>, %exp3A, %reduce_sum3A [1] : vector<2048x8xf32> to vector<2048xf32>
    %broadcast_in_dim3A_9 = vector.shape_cast %reduce_sum3A_8 : vector<2048xf32> to vector<2048x1xf32>
    %div3A = vector.broadcast %broadcast_in_dim3A_9 : vector<2048x1xf32> to vector<2048x8xf32>
    %div3A_10 = arith.divf %exp3A, %div3A : vector<2048x8xf32>
    %iota3A = tpu.iota {dimensions = array<i32: 1>} : vector<2048x8xi32>
    %reduce_max3A_11 = arith.constant dense<0xFF800000> : vector<2048xf32>
    %reduce_max3A_12 = vector.multi_reduction <maximumf>, %div3A_10, %reduce_max3A_11 [1] : vector<2048x8xf32> to vector<2048xf32>
    %broadcast_in_dim3A_13 = vector.shape_cast %reduce_max3A_12 : vector<2048xf32> to vector<2048x1xf32>
    %eq3A = vector.broadcast %broadcast_in_dim3A_13 : vector<2048x1xf32> to vector<2048x8xf32>
    %eq3A_14 = arith.cmpf oeq, %div3A_10, %eq3A : vector<2048x8xf32>
    %jit3A = arith.constant 8 : i32
    %broadcast_in_dim3A_15 = vector.broadcast %jit3A : i32 to vector<2048x8xi32>
    %select_n3A = arith.select %eq3A_14, %iota3A, %broadcast_in_dim3A_15 : vector<2048x8xi1>, vector<2048x8xi32>
    %reduce_min3A = arith.constant dense<2147483647> : vector<2048xi32>
    %reduce_min3A_16 = vector.multi_reduction <minsi>, %select_n3A, %reduce_min3A [1] : vector<2048x8xi32> to vector<2048xi32>
    %broadcast_in_dim3A_17 = vector.shape_cast %reduce_min3A_16 : vector<2048xi32> to vector<2048x1xi32>
    %eq3A_18 = vector.broadcast %broadcast_in_dim3A_17 : vector<2048x1xi32> to vector<2048x8xi32>
    %eq3A_19 = arith.cmpi eq, %iota3A, %eq3A_18 : vector<2048x8xi32>
    %jit3A_20 = arith.constant -1.000000e+00 : f32
    %broadcast_in_dim3A_21 = vector.broadcast %jit3A_20 : f32 to vector<2048x8xf32>
    %select_n3A_22 = arith.select %eq3A_19, %broadcast_in_dim3A_21, %div3A_10 : vector<2048x8xi1>, vector<2048x8xf32>
    %reduce_max3A_23 = arith.constant dense<0xFF800000> : vector<2048xf32>
    %reduce_max3A_24 = vector.multi_reduction <maximumf>, %select_n3A_22, %reduce_max3A_23 [1] : vector<2048x8xf32> to vector<2048xf32>
    %broadcast_in_dim3A_25 = vector.shape_cast %reduce_max3A_24 : vector<2048xf32> to vector<2048x1xf32>
    %eq3A_26 = vector.broadcast %broadcast_in_dim3A_25 : vector<2048x1xf32> to vector<2048x8xf32>
    %eq3A_27 = arith.cmpf oeq, %select_n3A_22, %eq3A_26 : vector<2048x8xf32>
    %jit3A_28 = arith.constant 8 : i32
    %broadcast_in_dim3A_29 = vector.broadcast %jit3A_28 : i32 to vector<2048x8xi32>
    %select_n3A_30 = arith.select %eq3A_27, %iota3A, %broadcast_in_dim3A_29 : vector<2048x8xi1>, vector<2048x8xi32>
    %reduce_min3A_31 = arith.constant dense<2147483647> : vector<2048xi32>
    %reduce_min3A_32 = vector.multi_reduction <minsi>, %select_n3A_30, %reduce_min3A_31 [1] : vector<2048x8xi32> to vector<2048xi32>
    %broadcast_in_dim3A_33 = vector.shape_cast %reduce_min3A_32 : vector<2048xi32> to vector<2048x1xi32>
    %add3A = arith.addf %broadcast_in_dim3A_13, %broadcast_in_dim3A_25 : vector<2048x1xf32>
    %div3A_34 = arith.divf %broadcast_in_dim3A_13, %add3A : vector<2048x1xf32>
    %div3A_35 = arith.divf %broadcast_in_dim3A_25, %add3A : vector<2048x1xf32>
    %concatenate3A = tpu.concatenate %div3A_34, %div3A_35 in 1 : vector<2048x1xf32>, vector<2048x1xf32> -> vector<2048x2xf32>
    %swap3A = arith.constant 0 : index
    %swap3A_36 = arith.constant 0 : index
    %swap3A_37 = vector.load %arg3[%swap3A, %swap3A_36] : memref<2048x2xf32, #tpu.memory_space<vmem>>, vector<2048x2xf32>
    tpu.vector_store %arg3[%swap3A, %swap3A_36], %concatenate3A {strides = array<i32>} : memref<2048x2xf32, #tpu.memory_space<vmem>>, vector<2048x2xf32>,
    %eq3A_38 = vector.broadcast %broadcast_in_dim3A_17 : vector<2048x1xi32> to vector<2048x8xi32>
    %eq3A_39 = arith.cmpi eq, %iota3A, %eq3A_38 : vector<2048x8xi32>
    %jit3A_40 = arith.constant 1 : i32
    %jit3A_41 = arith.constant 0 : i32
    %broadcast_in_dim3A_42 = vector.broadcast %jit3A_40 : i32 to vector<2048x8xi32>
    %broadcast_in_dim3A_43 = vector.broadcast %jit3A_41 : i32 to vector<2048x8xi32>
    %select_n3A_44 = arith.select %eq3A_39, %broadcast_in_dim3A_42, %broadcast_in_dim3A_43 : vector<2048x8xi1>, vector<2048x8xi32>
    %eq3A_45 = vector.broadcast %broadcast_in_dim3A_33 : vector<2048x1xi32> to vector<2048x8xi32>
    %eq3A_46 = arith.cmpi eq, %iota3A, %eq3A_45 : vector<2048x8xi32>
    %jit3A_47 = arith.constant 1 : i32
    %jit3A_48 = arith.constant 0 : i32
    %broadcast_in_dim3A_49 = vector.broadcast %jit3A_47 : i32 to vector<2048x8xi32>
    %broadcast_in_dim3A_50 = vector.broadcast %jit3A_48 : i32 to vector<2048x8xi32>
    %select_n3A_51 = arith.select %eq3A_46, %broadcast_in_dim3A_49, %broadcast_in_dim3A_50 : vector<2048x8xi1>, vector<2048x8xi32>
    %concatenate3A_52 = tpu.concatenate %select_n3A_44, %select_n3A_51 in 1 : vector<2048x8xi32>, vector<2048x8xi32> -> vector<2048x16xi32>
    %broadcast_in_dim3A_53 = arith.constant 0 : i32
    %broadcast_in_dim3A_54 = vector.broadcast %broadcast_in_dim3A_53 : i32 to vector<1x16xi32>
    %slice3A = vector.extract_strided_slice %concatenate3A_52 {offsets = [0, 0], sizes = [2047, 16], strides = [1, 1]} : vector<2048x16xi32> to vector<2047x16xi32>
    %concatenate3A_55 = tpu.concatenate %broadcast_in_dim3A_54, %slice3A in 0 : vector<1x16xi32>, vector<2047x16xi32> -> vector<2048x16xi32>
    %add3A_56 = arith.addi %concatenate3A_52, %concatenate3A_55 : vector<2048x16xi32>
    %broadcast_in_dim3A_57 = arith.constant 0 : i32
    %broadcast_in_dim3A_58 = vector.broadcast %broadcast_in_dim3A_57 : i32 to vector<2x16xi32>
    %slice3A_59 = vector.extract_strided_slice %add3A_56 {offsets = [0, 0], sizes = [2046, 16], strides = [1, 1]} : vector<2048x16xi32> to vector<2046x16xi32>
    %concatenate3A_60 = tpu.concatenate %broadcast_in_dim3A_58, %slice3A_59 in 0 : vector<2x16xi32>, vector<2046x16xi32> -> vector<2048x16xi32>
    %add3A_61 = arith.addi %add3A_56, %concatenate3A_60 : vector<2048x16xi32>
    %broadcast_in_dim3A_62 = arith.constant 0 : i32
    %broadcast_in_dim3A_63 = vector.broadcast %broadcast_in_dim3A_62 : i32 to vector<4x16xi32>
    %slice3A_64 = vector.extract_strided_slice %add3A_61 {offsets = [0, 0], sizes = [2044, 16], strides = [1, 1]} : vector<2048x16xi32> to vector<2044x16xi32>
    %concatenate3A_65 = tpu.concatenate %broadcast_in_dim3A_63, %slice3A_64 in 0 : vector<4x16xi32>, vector<2044x16xi32> -> vector<2048x16xi32>
    %add3A_66 = arith.addi %add3A_61, %concatenate3A_65 : vector<2048x16xi32>
    %broadcast_in_dim3A_67 = arith.constant 0 : i32
    %broadcast_in_dim3A_68 = vector.broadcast %broadcast_in_dim3A_67 : i32 to vector<8x16xi32>
    %slice3A_69 = vector.extract_strided_slice %add3A_66 {offsets = [0, 0], sizes = [2040, 16], strides = [1, 1]} : vector<2048x16xi32> to vector<2040x16xi32>
    %concatenate3A_70 = tpu.concatenate %broadcast_in_dim3A_68, %slice3A_69 in 0 : vector<8x16xi32>, vector<2040x16xi32> -> vector<2048x16xi32>
    %add3A_71 = arith.addi %add3A_66, %concatenate3A_70 : vector<2048x16xi32>
    %broadcast_in_dim3A_72 = arith.constant 0 : i32
    %broadcast_in_dim3A_73 = vector.broadcast %broadcast_in_dim3A_72 : i32 to vector<16x16xi32>
    %slice3A_74 = vector.extract_strided_slice %add3A_71 {offsets = [0, 0], sizes = [2032, 16], strides = [1, 1]} : vector<2048x16xi32> to vector<2032x16xi32>
    %concatenate3A_75 = tpu.concatenate %broadcast_in_dim3A_73, %slice3A_74 in 0 : vector<16x16xi32>, vector<2032x16xi32> -> vector<2048x16xi32>
    %add3A_76 = arith.addi %add3A_71, %concatenate3A_75 : vector<2048x16xi32>
    %broadcast_in_dim3A_77 = arith.constant 0 : i32
    %broadcast_in_dim3A_78 = vector.broadcast %broadcast_in_dim3A_77 : i32 to vector<32x16xi32>
    %slice3A_79 = vector.extract_strided_slice %add3A_76 {offsets = [0, 0], sizes = [2016, 16], strides = [1, 1]} : vector<2048x16xi32> to vector<2016x16xi32>
    %concatenate3A_80 = tpu.concatenate %broadcast_in_dim3A_78, %slice3A_79 in 0 : vector<32x16xi32>, vector<2016x16xi32> -> vector<2048x16xi32>
    %add3A_81 = arith.addi %add3A_76, %concatenate3A_80 : vector<2048x16xi32>
    %broadcast_in_dim3A_82 = arith.constant 0 : i32
    %broadcast_in_dim3A_83 = vector.broadcast %broadcast_in_dim3A_82 : i32 to vector<64x16xi32>
    %slice3A_84 = vector.extract_strided_slice %add3A_81 {offsets = [0, 0], sizes = [1984, 16], strides = [1, 1]} : vector<2048x16xi32> to vector<1984x16xi32>
    %concatenate3A_85 = tpu.concatenate %broadcast_in_dim3A_83, %slice3A_84 in 0 : vector<64x16xi32>, vector<1984x16xi32> -> vector<2048x16xi32>
    %add3A_86 = arith.addi %add3A_81, %concatenate3A_85 : vector<2048x16xi32>
    %broadcast_in_dim3A_87 = arith.constant 0 : i32
    %broadcast_in_dim3A_88 = vector.broadcast %broadcast_in_dim3A_87 : i32 to vector<128x16xi32>
    %slice3A_89 = vector.extract_strided_slice %add3A_86 {offsets = [0, 0], sizes = [1920, 16], strides = [1, 1]} : vector<2048x16xi32> to vector<1920x16xi32>
    %concatenate3A_90 = tpu.concatenate %broadcast_in_dim3A_88, %slice3A_89 in 0 : vector<128x16xi32>, vector<1920x16xi32> -> vector<2048x16xi32>
    %add3A_91 = arith.addi %add3A_86, %concatenate3A_90 : vector<2048x16xi32>
    %broadcast_in_dim3A_92 = arith.constant 0 : i32
    %broadcast_in_dim3A_93 = vector.broadcast %broadcast_in_dim3A_92 : i32 to vector<256x16xi32>
    %slice3A_94 = vector.extract_strided_slice %add3A_91 {offsets = [0, 0], sizes = [1792, 16], strides = [1, 1]} : vector<2048x16xi32> to vector<1792x16xi32>
    %concatenate3A_95 = tpu.concatenate %broadcast_in_dim3A_93, %slice3A_94 in 0 : vector<256x16xi32>, vector<1792x16xi32> -> vector<2048x16xi32>
    %add3A_96 = arith.addi %add3A_91, %concatenate3A_95 : vector<2048x16xi32>
    %broadcast_in_dim3A_97 = arith.constant 0 : i32
    %broadcast_in_dim3A_98 = vector.broadcast %broadcast_in_dim3A_97 : i32 to vector<512x16xi32>
    %slice3A_99 = vector.extract_strided_slice %add3A_96 {offsets = [0, 0], sizes = [1536, 16], strides = [1, 1]} : vector<2048x16xi32> to vector<1536x16xi32>
    %concatenate3A_100 = tpu.concatenate %broadcast_in_dim3A_98, %slice3A_99 in 0 : vector<512x16xi32>, vector<1536x16xi32> -> vector<2048x16xi32>
    %add3A_101 = arith.addi %add3A_96, %concatenate3A_100 : vector<2048x16xi32>
    %broadcast_in_dim3A_102 = arith.constant 0 : i32
    %broadcast_in_dim3A_103 = vector.broadcast %broadcast_in_dim3A_102 : i32 to vector<1024x16xi32>
    %slice3A_104 = vector.extract_strided_slice %add3A_101 {offsets = [0, 0], sizes = [1024, 16], strides = [1, 1]} : vector<2048x16xi32> to vector<1024x16xi32>
    %concatenate3A_105 = tpu.concatenate %broadcast_in_dim3A_103, %slice3A_104 in 0 : vector<1024x16xi32>, vector<1024x16xi32> -> vector<2048x16xi32>
    %add3A_106 = arith.addi %add3A_101, %concatenate3A_105 : vector<2048x16xi32>
    %slice3A_107 = vector.extract_strided_slice %add3A_106 {offsets = [0, 0], sizes = [2048, 8], strides = [1, 1]} : vector<2048x16xi32> to vector<2048x8xi32>
    %slice3A_108 = vector.extract_strided_slice %add3A_106 {offsets = [0, 8], sizes = [2048, 8], strides = [1, 1]} : vector<2048x16xi32> to vector<2048x8xi32>
    %sub3A_109 = arith.subi %slice3A_107, %select_n3A_44 : vector<2048x8xi32>
    %sub3A_110 = arith.subi %slice3A_108, %select_n3A_51 : vector<2048x8xi32>
    %slice3A_111 = vector.extract_strided_slice %slice3A_107 {offsets = [2047, 0], sizes = [1, 8], strides = [1, 1]} : vector<2048x8xi32> to vector<1x8xi32>
    %slice3A_112 = vector.extract_strided_slice %slice3A_108 {offsets = [2047, 0], sizes = [1, 8], strides = [1, 1]} : vector<2048x8xi32> to vector<1x8xi32>
    %add3A_113 = arith.addi %slice3A_111, %slice3A_112 : vector<1x8xi32>
    %add3A_114 = arith.constant 256 : i32
    %add3A_115 = vector.broadcast %add3A_114 : i32 to vector<1x8xi32>
    %add3A_116 = arith.addi %add3A_113, %add3A_115 : vector<1x8xi32>
    %sub3A_117 = arith.constant 1 : i32
    %sub3A_118 = vector.broadcast %sub3A_117 : i32 to vector<1x8xi32>
    %sub3A_119 = arith.subi %add3A_116, %sub3A_118 : vector<1x8xi32>
    %and3A = arith.constant -256 : i32
    %and3A_120 = vector.broadcast %and3A : i32 to vector<1x8xi32>
    %and3A_121 = arith.andi %sub3A_119, %and3A_120 : vector<1x8xi32>
    %broadcast_in_dim3A_122 = arith.constant 0 : i32
    %broadcast_in_dim3A_123 = vector.broadcast %broadcast_in_dim3A_122 : i32 to vector<1x1xi32>
    %slice3A_124 = vector.extract_strided_slice %and3A_121 {offsets = [0, 0], sizes = [1, 7], strides = [1, 1]} : vector<1x8xi32> to vector<1x7xi32>
    %concatenate3A_125 = tpu.concatenate %broadcast_in_dim3A_123, %slice3A_124 in 1 : vector<1x1xi32>, vector<1x7xi32> -> vector<1x8xi32>
    %add3A_126 = arith.addi %and3A_121, %concatenate3A_125 : vector<1x8xi32>
    %broadcast_in_dim3A_127 = arith.constant 0 : i32
    %broadcast_in_dim3A_128 = vector.broadcast %broadcast_in_dim3A_127 : i32 to vector<1x2xi32>
    %slice3A_129 = vector.extract_strided_slice %add3A_126 {offsets = [0, 0], sizes = [1, 6], strides = [1, 1]} : vector<1x8xi32> to vector<1x6xi32>
    %concatenate3A_130 = tpu.concatenate %broadcast_in_dim3A_128, %slice3A_129 in 1 : vector<1x2xi32>, vector<1x6xi32> -> vector<1x8xi32>
    %add3A_131 = arith.addi %add3A_126, %concatenate3A_130 : vector<1x8xi32>
    %broadcast_in_dim3A_132 = arith.constant 0 : i32
    %broadcast_in_dim3A_133 = vector.broadcast %broadcast_in_dim3A_132 : i32 to vector<1x4xi32>
    %slice3A_134 = vector.extract_strided_slice %add3A_131 {offsets = [0, 0], sizes = [1, 4], strides = [1, 1]} : vector<1x8xi32> to vector<1x4xi32>
    %concatenate3A_135 = tpu.concatenate %broadcast_in_dim3A_133, %slice3A_134 in 1 : vector<1x4xi32>, vector<1x4xi32> -> vector<1x8xi32>
    %add3A_136 = arith.addi %add3A_131, %concatenate3A_135 : vector<1x8xi32>
    %sub3A_137 = arith.subi %add3A_136, %and3A_121 : vector<1x8xi32>
    %mul3A = arith.muli %sub3A_109, %select_n3A_44 : vector<2048x8xi32>
    %reduce_sum3A_138 = arith.constant dense<0> : vector<2048xi32>
    %reduce_sum3A_139 = vector.multi_reduction <add>, %mul3A, %reduce_sum3A_138 [1] : vector<2048x8xi32> to vector<2048xi32>
    %broadcast_in_dim3A_140 = vector.shape_cast %reduce_sum3A_139 : vector<2048xi32> to vector<2048x1xi32>
    %add3A_141 = vector.broadcast %slice3A_111 : vector<1x8xi32> to vector<2048x8xi32>
    %add3A_142 = arith.addi %add3A_141, %sub3A_110 : vector<2048x8xi32>
    %mul3A_143 = arith.muli %add3A_142, %select_n3A_51 : vector<2048x8xi32>
    %reduce_sum3A_144 = arith.constant dense<0> : vector<2048xi32>
    %reduce_sum3A_145 = vector.multi_reduction <add>, %mul3A_143, %reduce_sum3A_144 [1] : vector<2048x8xi32> to vector<2048xi32>
    %broadcast_in_dim3A_146 = vector.shape_cast %reduce_sum3A_145 : vector<2048xi32> to vector<2048x1xi32>
    %mul3A_147 = vector.broadcast %sub3A_137 : vector<1x8xi32> to vector<2048x8xi32>
    %mul3A_148 = arith.muli %mul3A_147, %select_n3A_44 : vector<2048x8xi32>
    %reduce_sum3A_149 = arith.constant dense<0> : vector<2048xi32>
    %reduce_sum3A_150 = vector.multi_reduction <add>, %mul3A_148, %reduce_sum3A_149 [1] : vector<2048x8xi32> to vector<2048xi32>
    %broadcast_in_dim3A_151 = vector.shape_cast %reduce_sum3A_150 : vector<2048xi32> to vector<2048x1xi32>
    %mul3A_152 = vector.broadcast %sub3A_137 : vector<1x8xi32> to vector<2048x8xi32>
    %mul3A_153 = arith.muli %mul3A_152, %select_n3A_51 : vector<2048x8xi32>
    %reduce_sum3A_154 = arith.constant dense<0> : vector<2048xi32>
    %reduce_sum3A_155 = vector.multi_reduction <add>, %mul3A_153, %reduce_sum3A_154 [1] : vector<2048x8xi32> to vector<2048xi32>
    %broadcast_in_dim3A_156 = vector.shape_cast %reduce_sum3A_155 : vector<2048xi32> to vector<2048x1xi32>
    %add3A_157 = arith.addi %broadcast_in_dim3A_151, %broadcast_in_dim3A_140 : vector<2048x1xi32>
    %transpose3A = tpu.transpose %add3A_157, [1, 0] : vector<2048x1xi32> -> vector<1x2048xi32>
    %add3A_158 = arith.addi %broadcast_in_dim3A_156, %broadcast_in_dim3A_146 : vector<2048x1xi32>
    %transpose3A_159 = tpu.transpose %add3A_158, [1, 0] : vector<2048x1xi32> -> vector<1x2048xi32>
    %broadcast_in_dim3A_160 = arith.constant 0 : i32
    %broadcast_in_dim3A_161 = vector.broadcast %broadcast_in_dim3A_160 : i32 to vector<6x2048xi32>
    %concatenate3A_162 = tpu.concatenate %transpose3A, %transpose3A_159, %broadcast_in_dim3A_161 in 0 : vector<1x2048xi32>, vector<1x2048xi32>, vector<6x2048xi32> -> vector<8x2048xi32>
    %swap3A_163 = arith.constant 0 : index
    %swap3A_164 = arith.constant 0 : index
    %swap3A_165 = vector.load %arg2[%swap3A_163, %swap3A_164] : memref<8x2048xi32, #tpu.memory_space<vmem>>, vector<8x2048xi32>
    tpu.vector_store %arg2[%swap3A_163, %swap3A_164], %concatenate3A_162 {strides = array<i32>} : memref<8x2048xi32, #tpu.memory_space<vmem>>, vector<8x2048xi32>,
    %iota3A_166 = tpu.iota {dimensions = array<i32: 0>} : vector<32x1xi32>
    %mul3A_167 = arith.constant 256 : i32
    %mul3A_168 = vector.broadcast %mul3A_167 : i32 to vector<32x1xi32>
    %mul3A_169 = arith.muli %iota3A_166, %mul3A_168 : vector<32x1xi32>
    %slice3A_170 = vector.extract_strided_slice %add3A_136 {offsets = [0, 7], sizes = [1, 1], strides = [1, 1]} : vector<1x8xi32> to vector<1x1xi32>
    %sub3A_171 = arith.constant 256 : i32
    %sub3A_172 = vector.broadcast %sub3A_171 : i32 to vector<1x1xi32>
    %sub3A_173 = arith.subi %slice3A_170, %sub3A_172 : vector<1x1xi32>
    %min3A = vector.broadcast %sub3A_173 : vector<1x1xi32> to vector<32x1xi32>
    %min3A_174 = arith.minsi %mul3A_169, %min3A : vector<32x1xi32>
    %ge3A = vector.broadcast %min3A_174 : vector<32x1xi32> to vector<32x8xi32>
    %ge3A_175 = vector.broadcast %add3A_136 : vector<1x8xi32> to vector<32x8xi32>
    %ge3A_176 = arith.cmpi sge, %ge3A, %ge3A_175 : vector<32x8xi32>
    %broadcast_in_dim3A_177 = arith.constant 1 : i32
    %broadcast_in_dim3A_178 = vector.broadcast %broadcast_in_dim3A_177 : i32 to vector<32x8xi32>
    %broadcast_in_dim3A_179 = arith.constant 0 : i32
    %broadcast_in_dim3A_180 = vector.broadcast %broadcast_in_dim3A_179 : i32 to vector<32x8xi32>
    %select_n3A_181 = arith.select %ge3A_176, %broadcast_in_dim3A_178, %broadcast_in_dim3A_180 : vector<32x8xi1>, vector<32x8xi32>
    %reduce_sum3A_182 = arith.constant dense<0> : vector<32xi32>
    %reduce_sum3A_183 = vector.multi_reduction <add>, %select_n3A_181, %reduce_sum3A_182 [1] : vector<32x8xi32> to vector<32xi32>
    %broadcast_in_dim3A_184 = vector.shape_cast %reduce_sum3A_183 : vector<32xi32> to vector<32x1xi32>
    %min3A_185 = arith.constant 7 : i32
    %min3A_186 = vector.broadcast %min3A_185 : i32 to vector<32x1xi32>
    %min3A_187 = arith.minsi %broadcast_in_dim3A_184, %min3A_186 : vector<32x1xi32>
    %iota3A_188 = tpu.iota {dimensions = array<i32: 0>} : vector<32x1xi32>
    %shift_right_logical3A = arith.constant 8 : i32
    %shift_right_logical3A_189 = vector.broadcast %shift_right_logical3A : i32 to vector<1x1xi32>
    %shift_right_logical3A_190 = arith.shrui %slice3A_170, %shift_right_logical3A_189 : vector<1x1xi32>
    %sub3A_191 = arith.constant 1 : i32
    %sub3A_192 = vector.broadcast %sub3A_191 : i32 to vector<1x1xi32>
    %sub3A_193 = arith.subi %shift_right_logical3A_190, %sub3A_192 : vector<1x1xi32>
    %min3A_194 = vector.broadcast %sub3A_193 : vector<1x1xi32> to vector<32x1xi32>
    %min3A_195 = arith.minsi %iota3A_188, %min3A_194 : vector<32x1xi32>
    %lt3A = vector.broadcast %slice3A_170 : vector<1x1xi32> to vector<32x1xi32>
    %lt3A_196 = arith.cmpi slt, %mul3A_169, %lt3A : vector<32x1xi32>
    %broadcast_in_dim3A_197 = arith.constant 1 : i32
    %broadcast_in_dim3A_198 = vector.broadcast %broadcast_in_dim3A_197 : i32 to vector<32x1xi32>
    %broadcast_in_dim3A_199 = arith.constant 0 : i32
    %broadcast_in_dim3A_200 = vector.broadcast %broadcast_in_dim3A_199 : i32 to vector<32x1xi32>
    %select_n3A_201 = arith.select %lt3A_196, %broadcast_in_dim3A_198, %broadcast_in_dim3A_200 : vector<32x1xi1>, vector<32x1xi32>
    %concatenate3A_202 = tpu.concatenate %min3A_187, %min3A_195, %select_n3A_201 in 1 : vector<32x1xi32>, vector<32x1xi32>, vector<32x1xi32> -> vector<32x3xi32>
    %swap3A_203 = arith.constant 0 : index
    %swap3A_204 = arith.constant 0 : index
    %swap3A_205 = vector.load %arg4[%swap3A_203, %swap3A_204] : memref<32x3xi32, #tpu.memory_space<vmem>>, vector<32x3xi32>
    tpu.vector_store %arg4[%swap3A_203, %swap3A_204], %concatenate3A_202 {strides = array<i32>} : memref<32x3xi32, #tpu.memory_space<vmem>>, vector<32x3xi32>,
    return
  }
}

</mosaic_0001>

<sc_bundles>
// kernel: kernel.10.cloned.1.call-start
scs
__scs_entry_jumppad:
0x0: {  	(pc) =	sbr.rel $0x88, $3  }
0x1: {  	(tag) =	ssettag $0x0;
	lr =	simm.s32 $0x1  }
0x2: {  	[smem:$0x3F9D] =	sst lr;
	_ =	strace $0xD0000000  }
0x3: {  	_ = 	snop  }
0x4: {  	_ = 	snop  }
0x5: {  	_ = 	snop  }
0x6: {  	_ = 	snop  }
0x7: {  	_ = 	snop  }
__scs_overlays_trampoline_lowered:
0x8: {  	[smem:$0x3FAC] =	sst s0  }
0x9: {  	[smem:$0x3FAD] =	sst s1  }
0xa: {  	[smem:$0x3FAE] =	sst s2  }
0xb: {  	[smem:$0x3FAF] =	sst s3  }
0xc: {  	[smem:$0x3FB0] =	sst s4  }
0xd: {  	[smem:$0x3FB1] =	sst s5  }
0xe: {  	[smem:$0x3FB2] =	sst s6  }
0xf: {  	[smem:$0x3FB3] =	sst s7  }
0x10: {  	[smem:$0x3FB4] =	sst s8  }
0x11: {  	[smem:$0x3FB5] =	sst s9;
	s0 =	simm.s32 @!p0 $0x0  }
0x12: {  	s1 =	sld [smem:$0x3F9B];
	s0 =	simm.s32 @p0 $0x1  }
0x13: {  	[smem:$0x3FB6] =	sst s0;
	s0 =	simm.s32 @!p1 $0x0  }
0x14: {  	s2 =	sld [smem:$0x3F9A];
	s0 =	simm.s32 @p1 $0x1  }
0x15: {  	[smem:$0x3FB7] =	sst s0;
	s0 =	simm.s32 @!p2 $0x0  }
0x16: {  	s3 =	sld [smem:$0x3FDB];
	s0 =	simm.s32 @p2 $0x1  }
0x17: {  	s4 =	simm.s32 $0x1BF5;
	[smem:$0x3FB9] =	sst s0  }
0x18: {  	s0 =	sld [smem:$0x3F9C];
	_ =	swait.ge [sflag:s4], $0x0  }
0x19: {  	s7 =	sld [smem:$0x3F9D]  }
0x1a: {  	s8 =	sadd.s32 $0xFFFFE003, lr  }
0x1b: {  	s9 =	sadd.s32 $0xFFFFFEF7, lr;
	s5 =	simm.s32 $0xFFFFFFFF;
	p2 =	slt.u32 s8, $0xFFFFF086  }
0x1c: {  	p1 =	slt.u32 s9, $0xF7A;
	s5 =	simm.s32 @!p2 $0x0  }
0x1d: {  	s5 =	simm.s32 @p1 $0x1;
	p0 =	seq.s32 s7, s2  }
0x1e: {  	s7 =	smul.u32 @!p0 $0xF7A, s2;
	p2 =	seq.s32 @!p0 s5, $0x0  }
0x1f: {  	s9 =	smul.u32 $0xF7A, s1;
	s8 =	simm.s32 @!p0 $0x1BF5;
	p2 =	por !p2, p0  }
0x20: {  	[sflag:s8] =	ssyncset.s32 @!p0 $0xFFFFF086;
	s6 =	sadd.s32 @!p0 s3, s7;
	s7 =	simm.s32 @!p0 $0x108  }
0x21: {  	s3 =	sadd.s32 s3, s9;
	s6 =	sadd.s32 @!p0 $0x88, s6;
	s7 =	simm.s32 @p2 $0x1082  }
0x22: {  	[simem:s7], [sflag:s8] =	dma.local @!p0 [hbm:s6], $0xF7A  }
0x23: {  	s9 =	sor.u32 $0xD0000000, s2;
	s6 =	simm.s32 $0x108;
	_ =	swait.ge @!p0 [sflag:s8], $0x0  }
0x24: {  	s3 =	sadd.s32 $0x88, s3;
	s6 =	simm.s32 @!p1 $0x1082;
	[sflag:s4] =	ssyncset.s32 $0xFFFFF086  }
0x25: {  	[simem:s6], [sflag:s4] =	dma.local [hbm:s3], $0xF7A  }
0x26: {  	[smem:$0x3F9D] =	sst s1;
	(tag) =	ssettag s2;
	_ =	strace s9  }
0x27: {  	s1 =	sld [smem:$0x3FAD]  }
0x28: {  	s2 =	sld [smem:$0x3FAE]  }
0x29: {  	s4 =	sld [smem:$0x3FB0]  }
0x2a: {  	p0 =	seq.s32 s5, $0x0;
	s5 =	sld [smem:$0x3FB1]  }
0x2b: {  	s6 =	sld [smem:$0x3FB2]  }
0x2c: {  	s7 =	sld [smem:$0x3FB3]  }
0x2d: {  	s3 =	simm.s32 $0x108;
	s8 =	sld [smem:$0x3FB4]  }
0x2e: {  	s3 =	simm.s32 @!p0 $0x1082;
	s9 =	sld [smem:$0x3FB5]  }
0x2f: {  	lr =	sadd.s32 s0, s3;
	s0 =	sld [smem:$0x3FAC]  }
0x30: {  	s3 =	sld [smem:$0x3FAF]  }
0x31: {  	[smem:$0x3FB8] =	sst s10  }
0x32: {  	s10 =	sld [smem:$0x3FB6];
	_ =	sdelay $0x3  }
0x33: {  	p0 =	seq.s32 s10, $0x1;
	s10 =	sld [smem:$0x3FB8];
	_ =	sdelay $0x3  }
0x34: {  	[smem:$0x3FB8] =	sst s10  }
0x35: {  	s10 =	sld [smem:$0x3FB7];
	_ =	sdelay $0x3  }
0x36: {  	p1 =	seq.s32 s10, $0x1;
	s10 =	sld [smem:$0x3FB8];
	_ =	sdelay $0x3  }
0x37: {  	[smem:$0x3FB8] =	sst s10  }
0x38: {  	s10 =	sld [smem:$0x3FB9]  }
0x39: {  	_ = 	snop;
	(pc) =	sbr.ind lr, $3  }
0x3a: {  	_ = 	snop  }
0x3b: {  	_ = 	snop  }
0x3c: {  	p2 =	seq.s32 s10, $0x1;
	s10 =	sld [smem:$0x3FB8]  }
0x3d: {  	_ =	shalt  }
0x3e: {  	_ =	shalt  }
0x3f: {  	_ =	shalt  }
0x40: {  	_ =	shalt  }
0x41: {  	_ =	shalt  }
0x42: {  	_ =	shalt  }
0x43: {  	_ =	shalt  }
0x44: {  	_ =	shalt  }
0x45: {  	_ =	shalt  }
0x46: {  	_ =	shalt  }
0x47: {  	_ =	shalt  }
0x48: {  	_ =	shalt  }
0x49: {  	_ =	shalt  }
0x4a: {  	_ =	shalt  }
0x4b: {  	_ =	shalt  }
0x4c: {  	_ =	shalt  }
0x4d: {  	_ =	shalt  }
0x4e: {  	_ =	shalt  }
0x4f: {  	_ =	shalt  }
0x50: {  	_ =	shalt  }
0x51: {  	_ =	shalt  }
0x52: {  	_ =	shalt  }
0x53: {  	_ =	shalt  }
0x54: {  	_ =	shalt  }
0x55: {  	_ =	shalt  }
0x56: {  	_ =	shalt  }
0x57: {  	_ =	shalt  }
0x58: {  	_ =	shalt  }
0x59: {  	_ =	shalt  }
0x5a: {  	_ =	shalt  }
0x5b: {  	_ =	shalt  }
0x5c: {  	_ =	shalt  }
0x5d: {  	_ =	shalt  }
0x5e: {  	_ =	shalt  }
0x5f: {  	_ =	shalt  }
0x60: {  	_ =	shalt  }
0x61: {  	_ =	shalt  }
0x62: {  	_ =	shalt  }
0x63: {  	_ =	shalt  }
0x64: {  	_ =	shalt  }
0x65: {  	_ =	shalt  }
0x66: {  	_ =	shalt  }
0x67: {  	_ =	shalt  }
0x68: {  	_ =	shalt  }
0x69: {  	_ =	shalt  }
0x6a: {  	_ =	shalt  }
0x6b: {  	_ =	shalt  }
0x6c: {  	_ =	shalt  }
0x6d: {  	_ =	shalt  }
0x6e: {  	_ =	shalt  }
0x6f: {  	_ =	shalt  }
0x70: {  	_ =	shalt  }
0x71: {  	_ =	shalt  }
0x72: {  	_ =	shalt  }
0x73: {  	_ =	shalt  }
0x74: {  	_ =	shalt  }
0x75: {  	_ =	shalt  }
0x76: {  	_ =	shalt  }
0x77: {  	_ =	shalt  }
0x78: {  	_ =	shalt  }
0x79: {  	_ =	shalt  }
0x7a: {  	_ =	shalt  }
0x7b: {  	_ =	shalt  }
0x7c: {  	_ =	shalt  }
0x7d: {  	_ =	shalt  }
0x7e: {  	_ =	shalt  }
0x7f: {  	_ =	shalt  }
0x80: {  	_ =	shalt  }
0x81: {  	_ =	shalt  }
0x82: {  	_ =	shalt  }
0x83: {  	_ =	shalt  }
0x84: {  	_ =	shalt  }
0x85: {  	_ =	shalt  }
0x86: {  	_ =	shalt  }
0x87: {  	_ =	shalt  }
.Lfunc_end0:
.L_simem_size_0:
called_computation.1_lowered:
.L_overlay_start_0:
0x88: {  	s2 =	sld [smem:$0x3FD9]  }
0x89: {  	s3 =	sld [smem:$0x3FFE];
	_ =	sdelay $0x1  }
0x8a: {  	s1 =	srdreg.scid  }
0x8b: {  	s0 =	sand.u32 $0x1, s1  }
0x8c: {  	s17 =	sshll.u32 s0, $0xA;
	s2 =	sadd.s32 s3, s2  }
0x8d: {  	s2 =	sadd.s32 s2, s17  }
0x8e: {  	[smem:$0x3FC4] =	sst s2  }
0x8f: {  	_ = 	snop  }
0x90: {  	s2 =	sld [smem:$0x3FD0];
	(tm) =	ssettm $0x1  }
0x91: {  	s18 =	sld [smem:$0x3FFB];
	_ =	sdelay $0x3  }
0x92: {  	_ =	strace s18  }
0x93: {  	s3 =	sld [smem:$0x3FFC];
	_ =	sdelay $0x3  }
0x94: {  	_ =	strace s3  }
0x95: {  	s3 =	sld [smem:$0x3FFD];
	_ =	sdelay $0x3  }
0x96: {  	_ =	strace s3  }
0x97: {  	_ =	strace $0x8FFFFFFF  }
0x98: {  	s19 =	sld [smem:$0x3FDB];
	_ =	sdelay $0x1  }
0x99: {  	s4 =	simm.s32 $_scs_section_size  }
0x9a: {  	s5 =	simm.s32 $_size__tile_overlayer_lowered;
	s6 =	simm.s32 $_tile_overlayer_lowered  }
0x9b: {  	s22 =	simm.s32 $0x1BFF;
	s21 =	sshll.u32 s6, $0x1;
	s3 =	sadd.s32 s4, s19  }
0x9c: {  	s7 =	simm.s32 $0x0;
	s20 =	sshll.u32 s5, $0x1;
	s5 =	sadd.s32 s21, s3  }
0x9d: {  	[timem:s7], [sflag:s22] =	dma.local [hbm:s5], s20  }
0x9e: {  	_ =	swait.ge [sflag:s22], s20  }
0x9f: {  	s4 =	ssub.s32 $0x0, s20;
	[sflag:s22] =	ssyncset.done $0x0  }
0xa0: {  	[sflag:s22] =	ssyncadd.s32 s4;
	_ =	sdelay $0x1  }
0xa1: {  	s23 =	simm.s32 $0x1B8B  }
0xa2: {  	_ =	swait.ge [sflag:s23], $0x1  }
0xa3: {  	[sflag:s23] =	ssyncset.done $0x0  }
0xa4: {  	s25 =	simm.s32 $0x1B8E;
	s24 =	sld [smem:$0x3FFE];
	[sflag:s23] =	ssyncadd.s32 $0xFFFFFFFF  }
0xa5: {  	s26 =	simm.s32 $execute0_lowered;
	[smem:$0x3FD2] =	sst s25  }
0xa6: {  	s5 =	sshll.u32 s26, $0x1;
	_ =	strace $0x80000049;
	[dreg:$0x1] =	wrdreg $0xFFFFFFFF  }
0xa7: {  	s28 =	simm.s32 $_size_execute0_lowered;
	s3 =	sadd.s32 s3, s5;
	[dreg:$0x0] =	wrdreg $0x0  }
0xa8: {  	s5 =	sshll.u32 s28, $0x1;
	[dreg:$0x2] =	wrdreg s3  }
0xa9: {  	[dreg:$0x3] =	wrdreg s5  }
0xaa: {  	[dreg:$0x4] =	wrdreg $0xC0  }
0xab: {  	_ =	task [dreg:s7], $0x5FFFF  }
0xac: {  	[dreg:$0x1] =	wrdreg $0xFFFFFFFF  }
0xad: {  	[dreg:$0x0] =	wrdreg $0x60  }
0xae: {  	[dreg:$0x2] =	wrdreg s24  }
0xaf: {  	[dreg:$0x3] =	wrdreg s2  }
0xb0: {  	[dreg:$0x4] =	wrdreg $0x9  }
0xb1: {  	_ =	task.clear_ibuf [dreg:s7], $0x5FFFF;
	_ =	strace $0x90000049  }
0xb2: {  	s29 =	simm.s32 $0x9;
	_ =	strace $0x8000004B  }
0xb3: {  	_ =	swait.ge [sflag:s29], $0x1  }
0xb4: {  	[sflag:s29] =	ssyncadd.s32 $0xFFFFFFFF  }
0xb5: {  	_ =	strace $0x9000004B  }
0xb6: {  	_ =	sfence  }
0xb7: {  	s30 =	sld [smem:$0x0];
	_ =	sdelay $0x2  }
0xb8: {  	s31 =	sshll.u32 s1, $0xD;
	s1 =	sshrl.u32 s1, $0x2  }
0xb9: {  	s3 =	sand.u32 $0x4000, s31;
	s1 =	sadd.s32 s1, s30  }
0xba: {  	s0 =	sor.u32 s3, s0;
	s1 =	sshll.u32 s1, $0x11  }
0xbb: {  	s0 =	sor.u32 s1, s0  }
0xbc: {  	s0 =	sadd.s32 $0x8F2B, s0  }
0xbd: {  	[sflag:s0] =	ssyncadd.remote.s32 $0x1  }
0xbe: {  	_ =	sfence.sel $0xFFFF  }
0xbf: {  	[dreg:$0x0] =	wrdreg $0xFFFFFFFF;
	(pc) =	sbr.abs _section_cstart, $3  }
0xc0: {  	[dreg:$0x1] =	wrdreg $0xFFFFFFFF  }
0xc1: {  	_ =	task.clear_ibuf [dreg:s7], $0x2FFFF;
	_ =	strace $0x9FFFFFFF  }
0xc2: {  	(tm) =	ssettm $0x7FFFFFFF  }
0xc3: {  	_ =	shalt  }
tec
execute0_lowered:
.L_overlay_start_1:
0x0: {  	(tag) =	ssettag $0x1  }
0x1: {  	s1 =	rddreg [dreg:$0x0];
	s2 =	srdreg.scid  }
0x2: {  	s4 =	rddreg [dreg:$0x1];
	s5 =	sand.u32 $0x1, s2;
	s2 =	simm.s32 $0x0  }
0x3: {  	s18 =	simm.s32 $0x80;
	[smem:$0x7FF] =	sst s2  }
0x4: {  	s19 =	simm.s32 $0x900;
	_ =	strace $0x8000004A;
	[dreg:$0x6] =	wrdreg s18  }
0x5: {  	s20 =	simm.s32 $0x1100;
	[dreg:$0x7] =	wrdreg s19  }
0x6: {  	s21 =	simm.s32 $0x1900;
	[dreg:$0x8] =	wrdreg s20  }
0x7: {  	s0 =	stileid.u32;
	s22 =	simm.s32 $0x2100;
	[dreg:$0x9] =	wrdreg s21  }
0x8: {  	s23 =	simm.s32 $0x2900;
	s24 =	simm.s32 $0x3100;
	[dreg:$0xa] =	wrdreg s22  }
0x9: {  	s25 =	simm.s32 $0x3900;
	s26 =	simm.s32 $0x4100;
	[dreg:$0xb] =	wrdreg s23  }
0xa: {  	s9 =	simm.s32 $0x6900;
	s10 =	simm.s32 $0x7100;
	[dreg:$0xc] =	wrdreg s24  }
0xb: {  	s11 =	simm.s32 $0x7900;
	s3 =	sshll.u32 s0, $0x1;
	[dreg:$0xd] =	wrdreg s25  }
0xc: {  	s6 =	sshrl.u32 s0, $0x3;
	s0 =	simm.s32 $0x4900;
	[dreg:$0xe] =	wrdreg s26  }
0xd: {  	s12 =	simm.s32 $0x8100;
	s13 =	simm.s32 $0x8900;
	[dreg:$0xf] =	wrdreg s0  }
0xe: {  	s28 =	simm.s32 $0x17900;
	s29 =	simm.s32 $0x1;
	[dreg:$0x13] =	wrdreg s9  }
0xf: {  	s30 =	simm.s32 $0x1800;
	s31 =	simm.s32 $0x3000;
	[dreg:$0x14] =	wrdreg s10  }
0x10: {  	s14 =	sadd.s32 $0x91400, s1;
	s3 =	sand.u32 $0xE, s3;
	[dreg:$0x15] =	wrdreg s11  }
0x11: {  	s8 =	sshll.u32 s6, $0x4;
	s6 =	smul.u32 $0x1800, s6;
	[dreg:$0x16] =	wrdreg s12  }
0x12: {  	s3 =	sor.u32 s5, s3;
	[dreg:$0x17] =	wrdreg s13;
	s18 =	simm.s32 $0xB100  }
0x13: {  	s5 =	ssub.s32 $0x2, s5;
	s19 =	simm.s32 $0xB900;
	[dreg:$0x1c] =	wrdreg s18  }
0x14: {  	s21 =	simm.s32 $0xC900;
	s22 =	simm.s32 $0xD100;
	[dreg:$0x1d] =	wrdreg s19  }
0x15: {  	s23 =	simm.s32 $0xD900;
	s24 =	simm.s32 $0xE100;
	[dreg:$0x1e] =	wrdreg s21  }
0x16: {  	s25 =	simm.s32 $0xE900;
	s26 =	simm.s32 $0xF100;
	[dreg:$0x1f] =	wrdreg s22  }
0x17: {  	s9 =	simm.s32 $0x100;
	s10 =	simm.s32 $0xC100;
	[smem:$0x7FA] =	sst s23  }
0x18: {  	s12 =	simm.s32 $0x10100;
	s13 =	simm.s32 $0x10900;
	[smem:$0x7FB] =	sst s24  }
0x19: {  	s7 =	smul.u32 $0x30000, s3;
	s3 =	sshll.u32 s3, $0x7;
	[smem:$0x7FC] =	sst s25  }
0x1a: {  	s20 =	sshrl.u32 s5, $0x1;
	[smem:$0x7FD] =	sst s26;
	s18 =	simm.s32 $0x13100  }
0x1b: {  	s19 =	simm.s32 $0x13900;
	s21 =	simm.s32 $0x14900;
	s22 =	simm.s32 $0x15100  }
0x1c: {  	s23 =	simm.s32 $0x15900;
	s24 =	simm.s32 $0x16100;
	s25 =	simm.s32 $0x16900  }
0x1d: {  	s26 =	simm.s32 $0x17100;
	s3 =	sor.u32 s8, s3;
	s8 =	simm.s32 $0x6100  }
0x1e: {  	s3 =	sadd.s32 s4, s3;
	s15 =	sor.u32 s6, s7;
	s6 =	simm.s32 $0x5100  }
0x1f: {  	[dreg:$0x12] =	wrdreg s8;
	s8 =	simm.s32 $0x3;
	s16 =	sadd.s32 $0x8, s3  }
0x20: {  	s7 =	sshrl.u32 s15, $0x3;
	s4 =	sadd.s32 $0x18000, s15;
	[dreg:$0x10] =	wrdreg s6  }
0x21: {  	s15 =	simm.s32 $0x9900;
	s6 =	sadd.s32 $0x1600, s1;
	[dreg:$0x3] =	wrdreg s16  }
0x22: {  	s17 =	sadd.s32 s14, s7;
	s4 =	sshrl.u32 s4, $0x3;
	[dreg:$0x19] =	wrdreg s15  }
0x23: {  	s7 =	simm.s32 $0x5900;
	s16 =	simm.s32 $0xA100;
	[dreg:$0x4] =	wrdreg s17  }
0x24: {  	s15 =	simm.s32 $0x11900;
	s4 =	sadd.s32 s14, s4;
	[dreg:$0x11] =	wrdreg s7  }
0x25: {  	s14 =	simm.s32 $0x9100;
	[dreg:$0x1a] =	wrdreg s16;
	s17 =	simm.s32 $0xA900  }
0x26: {  	s7 =	ssub.s32 s5, s20;
	s5 =	sadd.s32 $0x1500, s1;
	[dreg:$0x5] =	wrdreg s4  }
0x27: {  	v2 =	vlaneseq.u32;
	s16 =	simm.s32 $0x12100;
	s20 =	simm.s32 $0x14100;
	[dreg:$0x18] =	wrdreg s14  }
0x28: {  	vm0 =	vmmov $0xffff;
	v1 =	vshrl.u32 v2, $0x3;
	s4 =	sadd.s32 $0x1400, s1;
	[dreg:$0x1b] =	wrdreg s17;
	s7 =	smax.u32 s7, $0x1  }
0x29: {  	v0 =	vand.u32 $0x7, v2;
	v2 =	vor.u32 $0x8, v2;
	v1 =	vmul.u32 $0x8, v1;
	s14 =	simm.s32 $0x11100;
	s17 =	simm.s32 $0x12900;
	s1 =	simm.s32 $0x2  }
.LBB2_1:
0x2a: {  	[tilespmem:s2], [sflag:$0x3] =	stream.linear.gather [hbm4b:s3+s2], $0x40, $0x38;
	[tilespmem:$0x18100] =	vst v63  }
0x2b: {  	_ =	swait.ge [sflag:s8], $0x40  }
0x2c: {  	s0 =	rddreg [dreg:$0x3];
	[sflag:s8] =	ssyncset.done $0x0  }
0x2d: {  	s11 =	rddreg [dreg:$0x6];
	[sflag:s8] =	ssyncadd.s32 $0xFFFFFFC0  }
0x2e: {  	[tilespmem:s11], [sflag:$0x3] =	stream.linear.gather [hbm4b:s0+s2], $0x40, $0x38;
	[tilespmem:$0x18100] =	vst v63  }
0x2f: {  	_ =	swait.ge [sflag:s8], $0x40  }
0x30: {  	[sflag:s8] =	ssyncset.done $0x0  }
0x31: {  	[sflag:s8] =	ssyncadd.s32 $0xFFFFFFC0  }
0x32: {  	v3 =	vld [tilespmem:$0x0];
	_ =	sdelay $0x4  }
0x33: {  	v4 =	vshrl.u32 v3, $0x3  }
0x34: {  	v4 =	vmul.u32 $0x30, v4  }
0x35: {  	v3 =	vand.u32 $0x7, v3  }
0x36: {  	v3 =	vor.u32 v3, v4  }
0x37: {  	v4 =	vperm.xlane v3, v0;
	_ =	sdelay $0x1  }
0x38: {  	v4 =	vadd.s32 v1, v4;
	_ =	sdelay $0x3  }
0x39: {  	v3 =	vperm.xlane v3, v2  }
0x3a: {  	[tilespmem:s9], [sflag:$0x1] =	stream.indirect_vreg.gather [hbm4b:s4+s2], $0x80, v4, vm0, $0xb8;
	[tilespmem:$0x18100] =	vst v63  }
0x3b: {  	s0 =	rddreg [dreg:$0x7];
	v3 =	vadd.s32 v1, v3  }
0x3c: {  	[tilespmem:s0], [sflag:$0x1] =	stream.indirect_vreg.gather [hbm4b:s5+s2], $0x80, v4, vm0, $0xb8;
	[tilespmem:$0x18100] =	vst v63  }
0x3d: {  	s11 =	rddreg [dreg:$0x8]  }
0x3e: {  	[tilespmem:s11], [sflag:$0x1] =	stream.indirect_vreg.gather [hbm4b:s6+s2], $0x80, v4, vm0, $0xb8;
	[tilespmem:$0x18100] =	vst v63  }
0x3f: {  	s0 =	rddreg [dreg:$0x9]  }
0x40: {  	[tilespmem:s0], [sflag:$0x1] =	stream.indirect_vreg.gather [hbm4b:s4+s2], $0x80, v3, vm0, $0xb8;
	[tilespmem:$0x18100] =	vst v63  }
0x41: {  	s11 =	rddreg [dreg:$0xa]  }
0x42: {  	[tilespmem:s11], [sflag:$0x1] =	stream.indirect_vreg.gather [hbm4b:s5+s2], $0x80, v3, vm0, $0xb8;
	[tilespmem:$0x18100] =	vst v63  }
0x43: {  	s0 =	rddreg [dreg:$0xb]  }
0x44: {  	[tilespmem:s0], [sflag:$0x1] =	stream.indirect_vreg.gather [hbm4b:s6+s2], $0x80, v3, vm0, $0xb8;
	[tilespmem:$0x18100] =	vst v63  }
0x45: {  	v3 =	vld [tilespmem:$0x10];
	_ =	sdelay $0x4  }
0x46: {  	v57 =	vshrl.u32 v3, $0x3  }
0x47: {  	v4 =	vmul.u32 $0x30, v57  }
0x48: {  	v3 =	vand.u32 $0x7, v3  }
0x49: {  	v3 =	vor.u32 v3, v4  }
0x4a: {  	v4 =	vperm.xlane v3, v0;
	_ =	sdelay $0x1  }
0x4b: {  	v4 =	vadd.s32 v1, v4;
	_ =	sdelay $0x3  }
0x4c: {  	s0 =	rddreg [dreg:$0xc];
	v3 =	vperm.xlane v3, v2  }
0x4d: {  	[tilespmem:s0], [sflag:$0x1] =	stream.indirect_vreg.gather [hbm4b:s4+s2], $0x80, v4, vm0, $0xb8;
	[tilespmem:$0x18100] =	vst v63  }
0x4e: {  	s11 =	rddreg [dreg:$0xd];
	v3 =	vadd.s32 v1, v3  }
0x4f: {  	[tilespmem:s11], [sflag:$0x1] =	stream.indirect_vreg.gather [hbm4b:s5+s2], $0x80, v4, vm0, $0xb8;
	[tilespmem:$0x18100] =	vst v63  }
0x50: {  	s0 =	rddreg [dreg:$0xe]  }
0x51: {  	[tilespmem:s0], [sflag:$0x1] =	stream.indirect_vreg.gather [hbm4b:s6+s2], $0x80, v4, vm0, $0xb8;
	[tilespmem:$0x18100] =	vst v63  }
0x52: {  	s11 =	rddreg [dreg:$0xf]  }
0x53: {  	[tilespmem:s11], [sflag:$0x1] =	stream.indirect_vreg.gather [hbm4b:s4+s2], $0x80, v3, vm0, $0xb8;
	[tilespmem:$0x18100] =	vst v63  }
0x54: {  	s0 =	rddreg [dreg:$0x10]  }
0x55: {  	[tilespmem:s0], [sflag:$0x1] =	stream.indirect_vreg.gather [hbm4b:s5+s2], $0x80, v3, vm0, $0xb8;
	[tilespmem:$0x18100] =	vst v63  }
0x56: {  	s11 =	rddreg [dreg:$0x11]  }
0x57: {  	[tilespmem:s11], [sflag:$0x1] =	stream.indirect_vreg.gather [hbm4b:s6+s2], $0x80, v3, vm0, $0xb8;
	[tilespmem:$0x18100] =	vst v63  }
0x58: {  	v3 =	vld [tilespmem:$0x20];
	_ =	sdelay $0x4  }
0x59: {  	v58 =	vshrl.u32 v3, $0x3  }
0x5a: {  	v4 =	vmul.u32 $0x30, v58  }
0x5b: {  	v3 =	vand.u32 $0x7, v3  }
0x5c: {  	v3 =	vor.u32 v3, v4  }
0x5d: {  	v4 =	vperm.xlane v3, v0;
	_ =	sdelay $0x1  }
0x5e: {  	v4 =	vadd.s32 v1, v4;
	_ =	sdelay $0x3  }
0x5f: {  	s0 =	rddreg [dreg:$0x12];
	v3 =	vperm.xlane v3, v2  }
0x60: {  	[tilespmem:s0], [sflag:$0x1] =	stream.indirect_vreg.gather [hbm4b:s4+s2], $0x80, v4, vm0, $0xb8;
	[tilespmem:$0x18100] =	vst v63  }
0x61: {  	s11 =	rddreg [dreg:$0x13];
	v3 =	vadd.s32 v1, v3  }
0x62: {  	[tilespmem:s11], [sflag:$0x1] =	stream.indirect_vreg.gather [hbm4b:s5+s2], $0x80, v4, vm0, $0xb8;
	[tilespmem:$0x18100] =	vst v63  }
0x63: {  	s0 =	rddreg [dreg:$0x14]  }
0x64: {  	[tilespmem:s0], [sflag:$0x1] =	stream.indirect_vreg.gather [hbm4b:s6+s2], $0x80, v4, vm0, $0xb8;
	[tilespmem:$0x18100] =	vst v63  }
0x65: {  	s11 =	rddreg [dreg:$0x15]  }
0x66: {  	[tilespmem:s11], [sflag:$0x1] =	stream.indirect_vreg.gather [hbm4b:s4+s2], $0x80, v3, vm0, $0xb8;
	[tilespmem:$0x18100] =	vst v63  }
0x67: {  	s0 =	rddreg [dreg:$0x16]  }
0x68: {  	[tilespmem:s0], [sflag:$0x1] =	stream.indirect_vreg.gather [hbm4b:s5+s2], $0x80, v3, vm0, $0xb8;
	[tilespmem:$0x18100] =	vst v63  }
0x69: {  	s11 =	rddreg [dreg:$0x17]  }
0x6a: {  	[tilespmem:s11], [sflag:$0x1] =	stream.indirect_vreg.gather [hbm4b:s6+s2], $0x80, v3, vm0, $0xb8;
	[tilespmem:$0x18100] =	vst v63  }
0x6b: {  	v3 =	vld [tilespmem:$0x30];
	_ =	sdelay $0x4  }
0x6c: {  	v59 =	vshrl.u32 v3, $0x3  }
0x6d: {  	v4 =	vmul.u32 $0x30, v59  }
0x6e: {  	v3 =	vand.u32 $0x7, v3  }
0x6f: {  	v3 =	vor.u32 v3, v4  }
0x70: {  	v4 =	vperm.xlane v3, v0;
	_ =	sdelay $0x1  }
0x71: {  	v4 =	vadd.s32 v1, v4;
	_ =	sdelay $0x3  }
0x72: {  	s0 =	rddreg [dreg:$0x18];
	v3 =	vperm.xlane v3, v2  }
0x73: {  	[tilespmem:s0], [sflag:$0x1] =	stream.indirect_vreg.gather [hbm4b:s4+s2], $0x80, v4, vm0, $0xb8;
	[tilespmem:$0x18100] =	vst v63  }
0x74: {  	s11 =	rddreg [dreg:$0x19];
	v3 =	vadd.s32 v1, v3  }
0x75: {  	[tilespmem:s11], [sflag:$0x1] =	stream.indirect_vreg.gather [hbm4b:s5+s2], $0x80, v4, vm0, $0xb8;
	[tilespmem:$0x18100] =	vst v63  }
0x76: {  	s0 =	rddreg [dreg:$0x1a]  }
0x77: {  	[tilespmem:s0], [sflag:$0x1] =	stream.indirect_vreg.gather [hbm4b:s6+s2], $0x80, v4, vm0, $0xb8;
	[tilespmem:$0x18100] =	vst v63  }
0x78: {  	s11 =	rddreg [dreg:$0x1b]  }
0x79: {  	[tilespmem:s11], [sflag:$0x1] =	stream.indirect_vreg.gather [hbm4b:s4+s2], $0x80, v3, vm0, $0xb8;
	[tilespmem:$0x18100] =	vst v63  }
0x7a: {  	s0 =	rddreg [dreg:$0x1c]  }
0x7b: {  	[tilespmem:s0], [sflag:$0x1] =	stream.indirect_vreg.gather [hbm4b:s5+s2], $0x80, v3, vm0, $0xb8;
	[tilespmem:$0x18100] =	vst v63  }
0x7c: {  	s11 =	rddreg [dreg:$0x1d]  }
0x7d: {  	[tilespmem:s11], [sflag:$0x1] =	stream.indirect_vreg.gather [hbm4b:s6+s2], $0x80, v3, vm0, $0xb8;
	[tilespmem:$0x18100] =	vst v63  }
0x7e: {  	v3 =	vld [tilespmem:$0x80];
	_ =	sdelay $0x4  }
0x7f: {  	v60 =	vshrl.u32 v3, $0x3  }
0x80: {  	v4 =	vmul.u32 $0x30, v60  }
0x81: {  	v3 =	vand.u32 $0x7, v3  }
0x82: {  	v3 =	vor.u32 v3, v4  }
0x83: {  	v4 =	vperm.xlane v3, v0;
	_ =	sdelay $0x1  }
0x84: {  	v4 =	vadd.s32 v1, v4;
	_ =	sdelay $0x3  }
0x85: {  	s0 =	rddreg [dreg:$0x1e];
	v3 =	vperm.xlane v3, v2  }
0x86: {  	[tilespmem:s10], [sflag:$0x2] =	stream.indirect_vreg.gather [hbm4b:s4+s2], $0x80, v4, vm0, $0xb8;
	[tilespmem:$0x18100] =	vst v63  }
0x87: {  	s11 =	rddreg [dreg:$0x1f];
	v3 =	vadd.s32 v1, v3  }
0x88: {  	[tilespmem:s0], [sflag:$0x2] =	stream.indirect_vreg.gather [hbm4b:s5+s2], $0x80, v4, vm0, $0xb8;
	[tilespmem:$0x18100] =	vst v63  }
0x89: {  	s0 =	sld [smem:$0x7FA]  }
0x8a: {  	[tilespmem:s11], [sflag:$0x2] =	stream.indirect_vreg.gather [hbm4b:s6+s2], $0x80, v4, vm0, $0xb8;
	[tilespmem:$0x18100] =	vst v63  }
0x8b: {  	s11 =	sld [smem:$0x7FB]  }
0x8c: {  	[tilespmem:s0], [sflag:$0x2] =	stream.indirect_vreg.gather [hbm4b:s4+s2], $0x80, v3, vm0, $0xb8;
	[tilespmem:$0x18100] =	vst v63  }
0x8d: {  	s0 =	sld [smem:$0x7FC]  }
0x8e: {  	[tilespmem:s11], [sflag:$0x2] =	stream.indirect_vreg.gather [hbm4b:s5+s2], $0x80, v3, vm0, $0xb8;
	[tilespmem:$0x18100] =	vst v63  }
0x8f: {  	_ = 	snop  }
0x90: {  	[tilespmem:s0], [sflag:$0x2] =	stream.indirect_vreg.gather [hbm4b:s6+s2], $0x80, v3, vm0, $0xb8;
	[tilespmem:$0x18100] =	vst v63  }
0x91: {  	v3 =	vld [tilespmem:$0x90];
	_ =	sdelay $0x4  }
0x92: {  	v61 =	vshrl.u32 v3, $0x3  }
0x93: {  	v4 =	vmul.u32 $0x30, v61  }
0x94: {  	v3 =	vand.u32 $0x7, v3  }
0x95: {  	v3 =	vor.u32 v3, v4  }
0x96: {  	v4 =	vperm.xlane v3, v0;
	_ =	sdelay $0x1  }
0x97: {  	v4 =	vadd.s32 v1, v4;
	_ =	sdelay $0x1  }
0x98: {  	s11 =	sld [smem:$0x7FD];
	_ =	sdelay $0x1  }
0x99: {  	v3 =	vperm.xlane v3, v2  }
0x9a: {  	[tilespmem:s11], [sflag:$0x2] =	stream.indirect_vreg.gather [hbm4b:s4+s2], $0x80, v4, vm0, $0xb8;
	[tilespmem:$0x18100] =	vst v63  }
0x9b: {  	v3 =	vadd.s32 v1, v3;
	s11 =	simm.s32 $0xF900  }
0x9c: {  	[tilespmem:s11], [sflag:$0x2] =	stream.indirect_vreg.gather [hbm4b:s5+s2], $0x80, v4, vm0, $0xb8;
	[tilespmem:$0x18100] =	vst v63  }
0x9d: {  	_ = 	snop  }
0x9e: {  	[tilespmem:s12], [sflag:$0x2] =	stream.indirect_vreg.gather [hbm4b:s6+s2], $0x80, v4, vm0, $0xb8;
	[tilespmem:$0x18100] =	vst v63  }
0x9f: {  	_ = 	snop  }
0xa0: {  	[tilespmem:s13], [sflag:$0x2] =	stream.indirect_vreg.gather [hbm4b:s4+s2], $0x80, v3, vm0, $0xb8;
	[tilespmem:$0x18100] =	vst v63  }
0xa1: {  	_ = 	snop  }
0xa2: {  	[tilespmem:s14], [sflag:$0x2] =	stream.indirect_vreg.gather [hbm4b:s5+s2], $0x80, v3, vm0, $0xb8;
	[tilespmem:$0x18100] =	vst v63  }
0xa3: {  	_ = 	snop  }
0xa4: {  	[tilespmem:s15], [sflag:$0x2] =	stream.indirect_vreg.gather [hbm4b:s6+s2], $0x80, v3, vm0, $0xb8;
	[tilespmem:$0x18100] =	vst v63  }
0xa5: {  	v3 =	vld [tilespmem:$0xA0];
	_ =	sdelay $0x4  }
0xa6: {  	v62 =	vshrl.u32 v3, $0x3  }
0xa7: {  	v4 =	vmul.u32 $0x30, v62  }
0xa8: {  	v3 =	vand.u32 $0x7, v3  }
0xa9: {  	v3 =	vor.u32 v3, v4  }
0xaa: {  	v4 =	vperm.xlane v3, v0;
	_ =	sdelay $0x1  }
0xab: {  	v4 =	vadd.s32 v1, v4;
	_ =	sdelay $0x3  }
0xac: {  	v3 =	vperm.xlane v3, v2  }
0xad: {  	[tilespmem:s16], [sflag:$0x2] =	stream.indirect_vreg.gather [hbm4b:s4+s2], $0x80, v4, vm0, $0xb8;
	[tilespmem:$0x18100] =	vst v63  }
0xae: {  	v3 =	vadd.s32 v1, v3  }
0xaf: {  	[tilespmem:s17], [sflag:$0x2] =	stream.indirect_vreg.gather [hbm4b:s5+s2], $0x80, v4, vm0, $0xb8;
	[tilespmem:$0x18100] =	vst v63  }
0xb0: {  	_ = 	snop  }
0xb1: {  	[tilespmem:s18], [sflag:$0x2] =	stream.indirect_vreg.gather [hbm4b:s6+s2], $0x80, v4, vm0, $0xb8;
	[tilespmem:$0x18100] =	vst v63  }
0xb2: {  	_ = 	snop  }
0xb3: {  	[tilespmem:s19], [sflag:$0x2] =	stream.indirect_vreg.gather [hbm4b:s4+s2], $0x80, v3, vm0, $0xb8;
	[tilespmem:$0x18100] =	vst v63  }
0xb4: {  	_ = 	snop  }
0xb5: {  	[tilespmem:s20], [sflag:$0x2] =	stream.indirect_vreg.gather [hbm4b:s5+s2], $0x80, v3, vm0, $0xb8;
	[tilespmem:$0x18100] =	vst v63  }
0xb6: {  	_ = 	snop  }
0xb7: {  	[tilespmem:s21], [sflag:$0x2] =	stream.indirect_vreg.gather [hbm4b:s6+s2], $0x80, v3, vm0, $0xb8;
	[tilespmem:$0x18100] =	vst v63  }
0xb8: {  	v3 =	vld [tilespmem:$0xB0];
	_ =	sdelay $0x4  }
0xb9: {  	v63 =	vshrl.u32 v3, $0x3  }
0xba: {  	v4 =	vmul.u32 $0x30, v63  }
0xbb: {  	v3 =	vand.u32 $0x7, v3  }
0xbc: {  	v3 =	vor.u32 v3, v4  }
0xbd: {  	v4 =	vperm.xlane v3, v0;
	_ =	sdelay $0x1  }
0xbe: {  	v4 =	vadd.s32 v1, v4;
	_ =	sdelay $0x3  }
0xbf: {  	v3 =	vperm.xlane v3, v2  }
0xc0: {  	[tilespmem:s22], [sflag:$0x2] =	stream.indirect_vreg.gather [hbm4b:s4+s2], $0x80, v4, vm0, $0xb8;
	[tilespmem:$0x18100] =	vst v63  }
0xc1: {  	v3 =	vadd.s32 v1, v3  }
0xc2: {  	[tilespmem:s23], [sflag:$0x2] =	stream.indirect_vreg.gather [hbm4b:s5+s2], $0x80, v4, vm0, $0xb8;
	[tilespmem:$0x18100] =	vst v63  }
0xc3: {  	_ = 	snop  }
0xc4: {  	[tilespmem:s24], [sflag:$0x2] =	stream.indirect_vreg.gather [hbm4b:s6+s2], $0x80, v4, vm0, $0xb8;
	[tilespmem:$0x18100] =	vst v63  }
0xc5: {  	_ = 	snop  }
0xc6: {  	[tilespmem:s25], [sflag:$0x2] =	stream.indirect_vreg.gather [hbm4b:s4+s2], $0x80, v3, vm0, $0xb8;
	[tilespmem:$0x18100] =	vst v63  }
0xc7: {  	_ = 	snop  }
0xc8: {  	[tilespmem:s26], [sflag:$0x2] =	stream.indirect_vreg.gather [hbm4b:s5+s2], $0x80, v3, vm0, $0xb8;
	[tilespmem:$0x18100] =	vst v63  }
0xc9: {  	_ = 	snop  }
0xca: {  	[tilespmem:s28], [sflag:$0x2] =	stream.indirect_vreg.gather [hbm4b:s6+s2], $0x80, v3, vm0, $0xb8;
	[tilespmem:$0x18100] =	vst v63  }
0xcb: {  	_ =	swait.ge [sflag:s29], $0xC000  }
0xcc: {  	[sflag:s29] =	ssyncset.done $0x0  }
0xcd: {  	s11 =	rddreg [dreg:$0x4];
	[sflag:s29] =	ssyncadd.s32 $0xFFFF4000  }
0xce: {  	[hbm4b:s11+s30] =	stream.strided.scatter [tilespmem:s9], [sflag:$0x3], $0xC000, s31, s30, $0x38;
	[tilespmem:$0x18100] =	vst v63  }
0xcf: {  	_ =	swait.ge [sflag:s8], $0xC000  }
0xd0: {  	[sflag:s8] =	ssyncset.done $0x0  }
0xd1: {  	[sflag:s8] =	ssyncadd.s32 $0xFFFF4000  }
0xd2: {  	_ =	swait.ge [sflag:s1], $0xC000  }
0xd3: {  	p0 =	sne.s32 s7, $0x1;
	[sflag:s1] =	ssyncset.done $0x0  }
.Ltmp0:
0xd4: {  	s11 =	rddreg [dreg:$0x5];
	[sflag:s1] =	ssyncadd.s32 $0xFFFF4000;
	(pc) =	sbr.rel @p0 .LBB2_1-.Ltmp0, $4  }
0xd5: {  	[hbm4b:s11+s30] =	stream.strided.scatter [tilespmem:s10], [sflag:$0x3], $0xC000, s31, s30, $0x38;
	[tilespmem:$0x18100] =	vst v63  }
0xd6: {  	_ =	swait.ge [sflag:s8], $0xC000  }
0xd7: {  	[sflag:s8] =	ssyncset.done $0x0  }
0xd8: {  	s7 =	sadd.s32 $0xFFFFFFFF, s7;
	[sflag:s8] =	ssyncadd.s32 $0xFFFF4000  }
0xd9: {  	_ =	sfence.sel $0x180000  }
0xda: {  	[bflag:$0x0] =	sbarrier.arrive $0xFFFF  }
0xdb: {  	_ =	strace $0x9000004A  }
0xdc: {  	s0 =	stileid.u32;
	[bflag:$0x2] =	sbarrier.arrive $0xFFFF  }
0xdd: {  	p0 =	sne.s32 s0, $0x0;
	s0 =	rddreg [dreg:$0x2]  }
0xde: {  	s0 =	sadd.s32 @!p0 $0x100000, s0  }
0xdf: {  	[sflag:s0] =	ssyncadd.tile.s32 @!p0 $0x1;
	_ =	shalt  }
.Lfunc_end2:
_tile_overlayer_lowered:
.L_overlay_start_2:
0xe0: {  	(tag) =	ssettag $0x2  }
0xe1: {  	s0 =	rddreg [dreg:$0x0];
	s2 =	stileid.u32  }
0xe2: {  	s1 =	rddreg [dreg:$0x1];
	p0 =	sne.s32 s2, $0x0  }
0xe3: {  	s3 =	rddreg [dreg:$0x2];
	[bflag:$0x3] =	sbarrier.arrive $0xFFFF;
	s2 =	simm.s32 @!p0 $0x1C03  }
0xe4: {  	[timem:s3], [sflag:s2] =	dma.local @!p0 [hbm:s0], s1  }
0xe5: {  	s0 =	simm.s32 @!p0 $0x3  }
0xe6: {  	_ =	swait.ge @!p0 [sflag:s0], s1  }
0xe7: {  	s1 =	ssub.s32 @!p0 $0x0, s1;
	[sflag:s0] =	ssyncset.done @!p0 $0x0  }
0xe8: {  	[sflag:s0] =	ssyncadd.s32 @!p0 s1  }
0xe9: {  	[bflag:$0x3] =	sbarrier.arrive $0xFFFF  }
0xea: {  	_ =	shalt  }

// kernel: kernel.7.cloned.1.call-start
scs
__scs_entry_jumppad:
0x0: {  	(pc) =	sbr.rel $0x88, $3  }
0x1: {  	(tag) =	ssettag $0x0;
	lr =	simm.s32 $0x1  }
0x2: {  	[smem:$0x3F9D] =	sst lr;
	_ =	strace $0xD0000000  }
0x3: {  	_ = 	snop  }
0x4: {  	_ = 	snop  }
0x5: {  	_ = 	snop  }
0x6: {  	_ = 	snop  }
0x7: {  	_ = 	snop  }
__scs_overlays_trampoline_lowered:
0x8: {  	[smem:$0x3FAC] =	sst s0  }
0x9: {  	[smem:$0x3FAD] =	sst s1  }
0xa: {  	[smem:$0x3FAE] =	sst s2  }
0xb: {  	[smem:$0x3FAF] =	sst s3  }
0xc: {  	[smem:$0x3FB0] =	sst s4  }
0xd: {  	[smem:$0x3FB1] =	sst s5  }
0xe: {  	[smem:$0x3FB2] =	sst s6  }
0xf: {  	[smem:$0x3FB3] =	sst s7  }
0x10: {  	[smem:$0x3FB4] =	sst s8  }
0x11: {  	[smem:$0x3FB5] =	sst s9;
	s0 =	simm.s32 @!p0 $0x0  }
0x12: {  	s1 =	sld [smem:$0x3F9B];
	s0 =	simm.s32 @p0 $0x1  }
0x13: {  	[smem:$0x3FB6] =	sst s0;
	s0 =	simm.s32 @!p1 $0x0  }
0x14: {  	s2 =	sld [smem:$0x3F9A];
	s0 =	simm.s32 @p1 $0x1  }
0x15: {  	[smem:$0x3FB7] =	sst s0;
	s0 =	simm.s32 @!p2 $0x0  }
0x16: {  	s3 =	sld [smem:$0x3FDB];
	s0 =	simm.s32 @p2 $0x1  }
0x17: {  	s4 =	simm.s32 $0x1BF5;
	[smem:$0x3FB9] =	sst s0  }
0x18: {  	s0 =	sld [smem:$0x3F9C];
	_ =	swait.ge [sflag:s4], $0x0  }
0x19: {  	s7 =	sld [smem:$0x3F9D]  }
0x1a: {  	s8 =	sadd.s32 $0xFFFFE003, lr  }
0x1b: {  	s9 =	sadd.s32 $0xFFFFFEF7, lr;
	s5 =	simm.s32 $0xFFFFFFFF;
	p2 =	slt.u32 s8, $0xFFFFF086  }
0x1c: {  	p1 =	slt.u32 s9, $0xF7A;
	s5 =	simm.s32 @!p2 $0x0  }
0x1d: {  	s5 =	simm.s32 @p1 $0x1;
	p0 =	seq.s32 s7, s2  }
0x1e: {  	s7 =	smul.u32 @!p0 $0xF7A, s2;
	p2 =	seq.s32 @!p0 s5, $0x0  }
0x1f: {  	s9 =	smul.u32 $0xF7A, s1;
	s8 =	simm.s32 @!p0 $0x1BF5;
	p2 =	por !p2, p0  }
0x20: {  	[sflag:s8] =	ssyncset.s32 @!p0 $0xFFFFF086;
	s6 =	sadd.s32 @!p0 s3, s7;
	s7 =	simm.s32 @!p0 $0x108  }
0x21: {  	s3 =	sadd.s32 s3, s9;
	s6 =	sadd.s32 @!p0 $0x88, s6;
	s7 =	simm.s32 @p2 $0x1082  }
0x22: {  	[simem:s7], [sflag:s8] =	dma.local @!p0 [hbm:s6], $0xF7A  }
0x23: {  	s9 =	sor.u32 $0xD0000000, s2;
	s6 =	simm.s32 $0x108;
	_ =	swait.ge @!p0 [sflag:s8], $0x0  }
0x24: {  	s3 =	sadd.s32 $0x88, s3;
	s6 =	simm.s32 @!p1 $0x1082;
	[sflag:s4] =	ssyncset.s32 $0xFFFFF086  }
0x25: {  	[simem:s6], [sflag:s4] =	dma.local [hbm:s3], $0xF7A  }
0x26: {  	[smem:$0x3F9D] =	sst s1;
	(tag) =	ssettag s2;
	_ =	strace s9  }
0x27: {  	s1 =	sld [smem:$0x3FAD]  }
0x28: {  	s2 =	sld [smem:$0x3FAE]  }
0x29: {  	s4 =	sld [smem:$0x3FB0]  }
0x2a: {  	p0 =	seq.s32 s5, $0x0;
	s5 =	sld [smem:$0x3FB1]  }
0x2b: {  	s6 =	sld [smem:$0x3FB2]  }
0x2c: {  	s7 =	sld [smem:$0x3FB3]  }
0x2d: {  	s3 =	simm.s32 $0x108;
	s8 =	sld [smem:$0x3FB4]  }
0x2e: {  	s3 =	simm.s32 @!p0 $0x1082;
	s9 =	sld [smem:$0x3FB5]  }
0x2f: {  	lr =	sadd.s32 s0, s3;
	s0 =	sld [smem:$0x3FAC]  }
0x30: {  	s3 =	sld [smem:$0x3FAF]  }
0x31: {  	[smem:$0x3FB8] =	sst s10  }
0x32: {  	s10 =	sld [smem:$0x3FB6];
	_ =	sdelay $0x3  }
0x33: {  	p0 =	seq.s32 s10, $0x1;
	s10 =	sld [smem:$0x3FB8];
	_ =	sdelay $0x3  }
0x34: {  	[smem:$0x3FB8] =	sst s10  }
0x35: {  	s10 =	sld [smem:$0x3FB7];
	_ =	sdelay $0x3  }
0x36: {  	p1 =	seq.s32 s10, $0x1;
	s10 =	sld [smem:$0x3FB8];
	_ =	sdelay $0x3  }
0x37: {  	[smem:$0x3FB8] =	sst s10  }
0x38: {  	s10 =	sld [smem:$0x3FB9]  }
0x39: {  	_ = 	snop;
	(pc) =	sbr.ind lr, $3  }
0x3a: {  	_ = 	snop  }
0x3b: {  	_ = 	snop  }
0x3c: {  	p2 =	seq.s32 s10, $0x1;
	s10 =	sld [smem:$0x3FB8]  }
0x3d: {  	_ =	shalt  }
0x3e: {  	_ =	shalt  }
0x3f: {  	_ =	shalt  }
0x40: {  	_ =	shalt  }
0x41: {  	_ =	shalt  }
0x42: {  	_ =	shalt  }
0x43: {  	_ =	shalt  }
0x44: {  	_ =	shalt  }
0x45: {  	_ =	shalt  }
0x46: {  	_ =	shalt  }
0x47: {  	_ =	shalt  }
0x48: {  	_ =	shalt  }
0x49: {  	_ =	shalt  }
0x4a: {  	_ =	shalt  }
0x4b: {  	_ =	shalt  }
0x4c: {  	_ =	shalt  }
0x4d: {  	_ =	shalt  }
0x4e: {  	_ =	shalt  }
0x4f: {  	_ =	shalt  }
0x50: {  	_ =	shalt  }
0x51: {  	_ =	shalt  }
0x52: {  	_ =	shalt  }
0x53: {  	_ =	shalt  }
0x54: {  	_ =	shalt  }
0x55: {  	_ =	shalt  }
0x56: {  	_ =	shalt  }
0x57: {  	_ =	shalt  }
0x58: {  	_ =	shalt  }
0x59: {  	_ =	shalt  }
0x5a: {  	_ =	shalt  }
0x5b: {  	_ =	shalt  }
0x5c: {  	_ =	shalt  }
0x5d: {  	_ =	shalt  }
0x5e: {  	_ =	shalt  }
0x5f: {  	_ =	shalt  }
0x60: {  	_ =	shalt  }
0x61: {  	_ =	shalt  }
0x62: {  	_ =	shalt  }
0x63: {  	_ =	shalt  }
0x64: {  	_ =	shalt  }
0x65: {  	_ =	shalt  }
0x66: {  	_ =	shalt  }
0x67: {  	_ =	shalt  }
0x68: {  	_ =	shalt  }
0x69: {  	_ =	shalt  }
0x6a: {  	_ =	shalt  }
0x6b: {  	_ =	shalt  }
0x6c: {  	_ =	shalt  }
0x6d: {  	_ =	shalt  }
0x6e: {  	_ =	shalt  }
0x6f: {  	_ =	shalt  }
0x70: {  	_ =	shalt  }
0x71: {  	_ =	shalt  }
0x72: {  	_ =	shalt  }
0x73: {  	_ =	shalt  }
0x74: {  	_ =	shalt  }
0x75: {  	_ =	shalt  }
0x76: {  	_ =	shalt  }
0x77: {  	_ =	shalt  }
0x78: {  	_ =	shalt  }
0x79: {  	_ =	shalt  }
0x7a: {  	_ =	shalt  }
0x7b: {  	_ =	shalt  }
0x7c: {  	_ =	shalt  }
0x7d: {  	_ =	shalt  }
0x7e: {  	_ =	shalt  }
0x7f: {  	_ =	shalt  }
0x80: {  	_ =	shalt  }
0x81: {  	_ =	shalt  }
0x82: {  	_ =	shalt  }
0x83: {  	_ =	shalt  }
0x84: {  	_ =	shalt  }
0x85: {  	_ =	shalt  }
0x86: {  	_ =	shalt  }
0x87: {  	_ =	shalt  }
.Lfunc_end0:
.L_simem_size_0:
called_computation_lowered:
.L_overlay_start_0:
0x88: {  	s2 =	sld [smem:$0x3FD9]  }
0x89: {  	s3 =	sld [smem:$0x3FFE];
	_ =	sdelay $0x1  }
0x8a: {  	s1 =	srdreg.scid  }
0x8b: {  	s0 =	sand.u32 $0x1, s1  }
0x8c: {  	s17 =	sshll.u32 s0, $0xA;
	s2 =	sadd.s32 s3, s2  }
0x8d: {  	s2 =	sadd.s32 s2, s17  }
0x8e: {  	[smem:$0x3FC4] =	sst s2  }
0x8f: {  	_ = 	snop  }
0x90: {  	s2 =	sld [smem:$0x3FC9]  }
0x91: {  	s18 =	sld [smem:$0x3FD0];
	(tm) =	ssettm $0x1  }
0x92: {  	s4 =	sld [smem:$0x3FFB];
	_ =	sdelay $0x3  }
0x93: {  	_ =	strace s4  }
0x94: {  	s4 =	sld [smem:$0x3FFC];
	_ =	sdelay $0x3  }
0x95: {  	_ =	strace s4  }
0x96: {  	s4 =	sld [smem:$0x3FFD];
	_ =	sdelay $0x3  }
0x97: {  	_ =	strace s4  }
0x98: {  	_ =	strace $0x8FFFFFFF  }
0x99: {  	s19 =	sld [smem:$0x3FDB];
	_ =	sdelay $0x1  }
0x9a: {  	s5 =	simm.s32 $_scs_section_size  }
0x9b: {  	s6 =	simm.s32 $_size__tile_overlayer_lowered;
	s7 =	simm.s32 $_tile_overlayer_lowered  }
0x9c: {  	s22 =	simm.s32 $0x1BFF;
	s21 =	sshll.u32 s7, $0x1;
	s4 =	sadd.s32 s5, s19  }
0x9d: {  	s8 =	simm.s32 $0x0;
	s20 =	sshll.u32 s6, $0x1;
	s6 =	sadd.s32 s21, s4  }
0x9e: {  	[timem:s8], [sflag:s22] =	dma.local [hbm:s6], s20  }
0x9f: {  	_ =	swait.ge [sflag:s22], s20  }
0xa0: {  	s5 =	ssub.s32 $0x0, s20;
	[sflag:s22] =	ssyncset.done $0x0  }
0xa1: {  	[sflag:s22] =	ssyncadd.s32 s5;
	_ =	sdelay $0x1  }
0xa2: {  	s23 =	simm.s32 $0x1B8B  }
0xa3: {  	_ =	swait.ge [sflag:s23], $0x1  }
0xa4: {  	[sflag:s23] =	ssyncset.done $0x0  }
0xa5: {  	s25 =	simm.s32 $0x1B8E;
	s24 =	sld [smem:$0x3FFE];
	[sflag:s23] =	ssyncadd.s32 $0xFFFFFFFF  }
0xa6: {  	s26 =	simm.s32 $execute0_lowered;
	[smem:$0x3FD2] =	sst s25  }
0xa7: {  	s6 =	sshll.u32 s26, $0x1;
	_ =	strace $0x80000046;
	[dreg:$0x1] =	wrdreg $0xFFFFFFFF  }
0xa8: {  	s28 =	simm.s32 $_size_execute0_lowered;
	s4 =	sadd.s32 s4, s6;
	[dreg:$0x0] =	wrdreg $0x0  }
0xa9: {  	s6 =	sshll.u32 s28, $0x1;
	[dreg:$0x2] =	wrdreg s4  }
0xaa: {  	[dreg:$0x3] =	wrdreg s6  }
0xab: {  	[dreg:$0x4] =	wrdreg $0xC0  }
0xac: {  	_ =	task [dreg:s8], $0x5FFFF  }
0xad: {  	[dreg:$0x1] =	wrdreg $0xFFFFFFFF  }
0xae: {  	[dreg:$0x0] =	wrdreg $0x60  }
0xaf: {  	[dreg:$0x2] =	wrdreg s2  }
0xb0: {  	[dreg:$0x3] =	wrdreg s18  }
0xb1: {  	[dreg:$0x4] =	wrdreg s24  }
0xb2: {  	[dreg:$0x5] =	wrdreg $0x9  }
0xb3: {  	_ =	task.clear_ibuf [dreg:s8], $0x6FFFF;
	_ =	strace $0x90000046  }
0xb4: {  	s29 =	simm.s32 $0x9;
	_ =	strace $0x80000048  }
0xb5: {  	_ =	swait.ge [sflag:s29], $0x1  }
0xb6: {  	[sflag:s29] =	ssyncadd.s32 $0xFFFFFFFF  }
0xb7: {  	_ =	strace $0x90000048  }
0xb8: {  	_ =	sfence  }
0xb9: {  	s30 =	sld [smem:$0x0];
	_ =	sdelay $0x2  }
0xba: {  	s31 =	sshll.u32 s1, $0xD;
	s1 =	sshrl.u32 s1, $0x2  }
0xbb: {  	s3 =	sand.u32 $0x4000, s31;
	s1 =	sadd.s32 s1, s30  }
0xbc: {  	s0 =	sor.u32 s3, s0;
	s1 =	sshll.u32 s1, $0x11  }
0xbd: {  	s0 =	sor.u32 s1, s0  }
0xbe: {  	s0 =	sadd.s32 $0x8F2B, s0  }
0xbf: {  	[sflag:s0] =	ssyncadd.remote.s32 $0x1  }
0xc0: {  	_ =	sfence.sel $0xFFFF  }
0xc1: {  	[dreg:$0x0] =	wrdreg $0xFFFFFFFF;
	(pc) =	sbr.abs _section_cstart, $3  }
0xc2: {  	[dreg:$0x1] =	wrdreg $0xFFFFFFFF  }
0xc3: {  	_ =	task.clear_ibuf [dreg:s8], $0x2FFFF;
	_ =	strace $0x9FFFFFFF  }
0xc4: {  	(tm) =	ssettm $0x7FFFFFFF  }
0xc5: {  	_ =	shalt  }
tec
execute0_lowered:
.L_overlay_start_1:
0x0: {  	(tag) =	ssettag $0x1  }
0x1: {  	s0 =	stileid.u32;
	s4 =	rddreg [dreg:$0x0]  }
0x2: {  	s1 =	srdreg.scid;
	s3 =	rddreg [dreg:$0x1]  }
0x3: {  	s2 =	sshll.u32 s0, $0x1;
	s5 =	sand.u32 $0x1, s1;
	s1 =	rddreg [dreg:$0x2]  }
0x4: {  	s6 =	sand.u32 $0xE, s2;
	s8 =	sand.u32 $0x10, s2;
	s2 =	simm.s32 $0x0  }
0x5: {  	s20 =	simm.s32 $0x80;
	[smem:$0x7FF] =	sst s2  }
0x6: {  	s21 =	simm.s32 $0x900;
	_ =	strace $0x80000047;
	[dreg:$0x7] =	wrdreg s20  }
0x7: {  	s22 =	simm.s32 $0x1100;
	[dreg:$0x8] =	wrdreg s21  }
0x8: {  	s23 =	simm.s32 $0x1900;
	[dreg:$0x9] =	wrdreg s22  }
0x9: {  	s24 =	simm.s32 $0x2100;
	[dreg:$0xa] =	wrdreg s23  }
0xa: {  	s25 =	simm.s32 $0x2900;
	[dreg:$0xb] =	wrdreg s24  }
0xb: {  	s26 =	simm.s32 $0x3100;
	[dreg:$0xc] =	wrdreg s25  }
0xc: {  	s0 =	simm.s32 $0x3900;
	[dreg:$0xd] =	wrdreg s26  }
0xd: {  	s9 =	simm.s32 $0x5900;
	[dreg:$0xe] =	wrdreg s0  }
0xe: {  	s10 =	simm.s32 $0x6100;
	[dreg:$0x12] =	wrdreg s9  }
0xf: {  	s11 =	simm.s32 $0x6900;
	s12 =	simm.s32 $0x7100;
	[dreg:$0x13] =	wrdreg s10  }
0x10: {  	s13 =	simm.s32 $0x7900;
	s14 =	simm.s32 $0x8100;
	[dreg:$0x14] =	wrdreg s11  }
0x11: {  	s15 =	simm.s32 $0x8900;
	s16 =	simm.s32 $0x9100;
	[dreg:$0x15] =	wrdreg s12  }
0x12: {  	s17 =	simm.s32 $0x9900;
	s18 =	simm.s32 $0xA100;
	[dreg:$0x16] =	wrdreg s13  }
0x13: {  	s28 =	simm.s32 $0x16900;
	s29 =	simm.s32 $0x17100;
	[dreg:$0x17] =	wrdreg s14  }
0x14: {  	s30 =	simm.s32 $0x17900;
	s31 =	simm.s32 $0x1;
	[dreg:$0x18] =	wrdreg s15  }
0x15: {  	s6 =	sor.u32 s5, s6;
	s5 =	ssub.s32 $0x2, s5;
	[dreg:$0x19] =	wrdreg s16  }
0x16: {  	s7 =	sshll.u32 s6, $0x7;
	s19 =	smul.u32 $0x18000, s6;
	[dreg:$0x1a] =	wrdreg s17  }
0x17: {  	s6 =	smul.u32 $0x3000, s6;
	[dreg:$0x1b] =	wrdreg s18;
	s20 =	sshrl.u32 s5, $0x1  }
0x18: {  	s21 =	simm.s32 $0xB100;
	s22 =	simm.s32 $0xB900;
	s23 =	simm.s32 $0xC900  }
0x19: {  	s24 =	simm.s32 $0xD100;
	s25 =	simm.s32 $0xD900;
	s26 =	simm.s32 $0xE100  }
0x1a: {  	s9 =	simm.s32 $0x100;
	s10 =	simm.s32 $0xC100;
	[dreg:$0x1d] =	wrdreg s21  }
0x1b: {  	s12 =	simm.s32 $0xF100;
	s13 =	simm.s32 $0xF900;
	[dreg:$0x1e] =	wrdreg s22  }
0x1c: {  	s14 =	simm.s32 $0x10100;
	s15 =	simm.s32 $0x10900;
	[dreg:$0x1f] =	wrdreg s23  }
0x1d: {  	s16 =	simm.s32 $0x11100;
	s17 =	simm.s32 $0x11900;
	[smem:$0x7FB] =	sst s24  }
0x1e: {  	s18 =	simm.s32 $0x12100;
	s7 =	sor.u32 s8, s7;
	[smem:$0x7FC] =	sst s25  }
0x1f: {  	[smem:$0x7FD] =	sst s26;
	s21 =	simm.s32 $0x13900;
	s22 =	simm.s32 $0x14100  }
0x20: {  	s23 =	simm.s32 $0x14900;
	s3 =	sadd.s32 s3, s7;
	s6 =	sadd.s32 s4, s6  }
0x21: {  	s8 =	sshrl.u32 s19, $0x3;
	s19 =	simm.s32 $0xA900;
	[dreg:$0x5] =	wrdreg s6  }
0x22: {  	s24 =	simm.s32 $0x15100;
	s7 =	sadd.s32 $0x8, s3;
	[dreg:$0x1c] =	wrdreg s19  }
0x23: {  	s25 =	simm.s32 $0x15900;
	s6 =	simm.s32 $0x4100;
	[dreg:$0x4] =	wrdreg s7  }
0x24: {  	s4 =	sadd.s32 s4, s8;
	s8 =	simm.s32 $0x5100;
	[dreg:$0xf] =	wrdreg s6  }
0x25: {  	s26 =	simm.s32 $0x16100;
	s4 =	sadd.s32 $0x1800, s4;
	[dreg:$0x11] =	wrdreg s8  }
0x26: {  	s19 =	simm.s32 $0x12900;
	s7 =	simm.s32 $0x4900;
	[dreg:$0x6] =	wrdreg s4  }
0x27: {  	v2 =	vlaneseq.u32;
	s6 =	sadd.s32 $0x1600, s1;
	s8 =	simm.s32 $0x3;
	[dreg:$0x10] =	wrdreg s7  }
0x28: {  	vm0 =	vmmov $0xffff;
	v1 =	vshrl.u32 v2, $0x3;
	s4 =	sadd.s32 $0x1400, s1;
	s7 =	ssub.s32 s5, s20;
	s5 =	sadd.s32 $0x1500, s1  }
0x29: {  	v0 =	vand.u32 $0x7, v2;
	v2 =	vor.u32 $0x8, v2;
	v1 =	vmul.u32 $0x8, v1;
	s20 =	simm.s32 $0x13100;
	s1 =	simm.s32 $0x2;
	s7 =	smax.u32 s7, $0x1  }
.LBB2_1:
0x2a: {  	[tilespmem:s2], [sflag:$0x3] =	stream.linear.gather [hbm4b:s3+s2], $0x40, $0x38;
	[tilespmem:$0x18100] =	vst v63  }
0x2b: {  	_ =	swait.ge [sflag:s8], $0x40  }
0x2c: {  	s0 =	rddreg [dreg:$0x4];
	[sflag:s8] =	ssyncset.done $0x0  }
0x2d: {  	s11 =	rddreg [dreg:$0x7];
	[sflag:s8] =	ssyncadd.s32 $0xFFFFFFC0  }
0x2e: {  	[tilespmem:s11], [sflag:$0x3] =	stream.linear.gather [hbm4b:s0+s2], $0x40, $0x38;
	[tilespmem:$0x18100] =	vst v63  }
0x2f: {  	_ =	swait.ge [sflag:s8], $0x40  }
0x30: {  	[sflag:s8] =	ssyncset.done $0x0  }
0x31: {  	s11 =	rddreg [dreg:$0x5];
	[sflag:s8] =	ssyncadd.s32 $0xFFFFFFC0  }
0x32: {  	[tilespmem:s9], [sflag:$0x3] =	stream.linear.gather [hbm4b:s11+s2], $0xC000, $0x38;
	[tilespmem:$0x18100] =	vst v63  }
0x33: {  	_ =	swait.ge [sflag:s8], $0xC000  }
0x34: {  	[sflag:s8] =	ssyncset.done $0x0  }
0x35: {  	[sflag:s8] =	ssyncadd.s32 $0xFFFF4000  }
0x36: {  	v3 =	vld [tilespmem:$0x0];
	_ =	sdelay $0x4  }
0x37: {  	v4 =	vshrl.u32 v3, $0x3  }
0x38: {  	v4 =	vmul.u32 $0x30, v4  }
0x39: {  	v3 =	vand.u32 $0x7, v3  }
0x3a: {  	v3 =	vor.u32 v3, v4  }
0x3b: {  	v4 =	vperm.xlane v3, v0;
	_ =	sdelay $0x1  }
0x3c: {  	v4 =	vadd.s32 v1, v4;
	_ =	sdelay $0x3  }
0x3d: {  	v3 =	vperm.xlane v3, v2  }
0x3e: {  	[hbm4b:s4+s2] =	stream.indirect_vreg.scatter [tilespmem:s9], [sflag:$0x1], $0x80, v4, vm0, $0xb8;
	[tilespmem:$0x18100] =	vst v63  }
0x3f: {  	s0 =	rddreg [dreg:$0x8];
	v3 =	vadd.s32 v1, v3  }
0x40: {  	[hbm4b:s5+s2] =	stream.indirect_vreg.scatter [tilespmem:s0], [sflag:$0x1], $0x80, v4, vm0, $0xb8;
	[tilespmem:$0x18100] =	vst v63  }
0x41: {  	s11 =	rddreg [dreg:$0x9]  }
0x42: {  	[hbm4b:s6+s2] =	stream.indirect_vreg.scatter [tilespmem:s11], [sflag:$0x1], $0x80, v4, vm0, $0xb8;
	[tilespmem:$0x18100] =	vst v63  }
0x43: {  	s0 =	rddreg [dreg:$0xa]  }
0x44: {  	[hbm4b:s4+s2] =	stream.indirect_vreg.scatter [tilespmem:s0], [sflag:$0x1], $0x80, v3, vm0, $0xb8;
	[tilespmem:$0x18100] =	vst v63  }
0x45: {  	s11 =	rddreg [dreg:$0xb]  }
0x46: {  	[hbm4b:s5+s2] =	stream.indirect_vreg.scatter [tilespmem:s11], [sflag:$0x1], $0x80, v3, vm0, $0xb8;
	[tilespmem:$0x18100] =	vst v63  }
0x47: {  	s0 =	rddreg [dreg:$0xc]  }
0x48: {  	[hbm4b:s6+s2] =	stream.indirect_vreg.scatter [tilespmem:s0], [sflag:$0x1], $0x80, v3, vm0, $0xb8;
	[tilespmem:$0x18100] =	vst v63  }
0x49: {  	v3 =	vld [tilespmem:$0x10];
	_ =	sdelay $0x4  }
0x4a: {  	v57 =	vshrl.u32 v3, $0x3  }
0x4b: {  	v4 =	vmul.u32 $0x30, v57  }
0x4c: {  	v3 =	vand.u32 $0x7, v3  }
0x4d: {  	v3 =	vor.u32 v3, v4  }
0x4e: {  	v4 =	vperm.xlane v3, v0;
	_ =	sdelay $0x1  }
0x4f: {  	v4 =	vadd.s32 v1, v4;
	_ =	sdelay $0x3  }
0x50: {  	s0 =	rddreg [dreg:$0xd];
	v3 =	vperm.xlane v3, v2  }
0x51: {  	[hbm4b:s4+s2] =	stream.indirect_vreg.scatter [tilespmem:s0], [sflag:$0x1], $0x80, v4, vm0, $0xb8;
	[tilespmem:$0x18100] =	vst v63  }
0x52: {  	s11 =	rddreg [dreg:$0xe];
	v3 =	vadd.s32 v1, v3  }
0x53: {  	[hbm4b:s5+s2] =	stream.indirect_vreg.scatter [tilespmem:s11], [sflag:$0x1], $0x80, v4, vm0, $0xb8;
	[tilespmem:$0x18100] =	vst v63  }
0x54: {  	s0 =	rddreg [dreg:$0xf]  }
0x55: {  	[hbm4b:s6+s2] =	stream.indirect_vreg.scatter [tilespmem:s0], [sflag:$0x1], $0x80, v4, vm0, $0xb8;
	[tilespmem:$0x18100] =	vst v63  }
0x56: {  	s11 =	rddreg [dreg:$0x10]  }
0x57: {  	[hbm4b:s4+s2] =	stream.indirect_vreg.scatter [tilespmem:s11], [sflag:$0x1], $0x80, v3, vm0, $0xb8;
	[tilespmem:$0x18100] =	vst v63  }
0x58: {  	s0 =	rddreg [dreg:$0x11]  }
0x59: {  	[hbm4b:s5+s2] =	stream.indirect_vreg.scatter [tilespmem:s0], [sflag:$0x1], $0x80, v3, vm0, $0xb8;
	[tilespmem:$0x18100] =	vst v63  }
0x5a: {  	s11 =	rddreg [dreg:$0x12]  }
0x5b: {  	[hbm4b:s6+s2] =	stream.indirect_vreg.scatter [tilespmem:s11], [sflag:$0x1], $0x80, v3, vm0, $0xb8;
	[tilespmem:$0x18100] =	vst v63  }
0x5c: {  	v3 =	vld [tilespmem:$0x20];
	_ =	sdelay $0x4  }
0x5d: {  	v58 =	vshrl.u32 v3, $0x3  }
0x5e: {  	v4 =	vmul.u32 $0x30, v58  }
0x5f: {  	v3 =	vand.u32 $0x7, v3  }
0x60: {  	v3 =	vor.u32 v3, v4  }
0x61: {  	v4 =	vperm.xlane v3, v0;
	_ =	sdelay $0x1  }
0x62: {  	v4 =	vadd.s32 v1, v4;
	_ =	sdelay $0x3  }
0x63: {  	s0 =	rddreg [dreg:$0x13];
	v3 =	vperm.xlane v3, v2  }
0x64: {  	[hbm4b:s4+s2] =	stream.indirect_vreg.scatter [tilespmem:s0], [sflag:$0x1], $0x80, v4, vm0, $0xb8;
	[tilespmem:$0x18100] =	vst v63  }
0x65: {  	s11 =	rddreg [dreg:$0x14];
	v3 =	vadd.s32 v1, v3  }
0x66: {  	[hbm4b:s5+s2] =	stream.indirect_vreg.scatter [tilespmem:s11], [sflag:$0x1], $0x80, v4, vm0, $0xb8;
	[tilespmem:$0x18100] =	vst v63  }
0x67: {  	s0 =	rddreg [dreg:$0x15]  }
0x68: {  	[hbm4b:s6+s2] =	stream.indirect_vreg.scatter [tilespmem:s0], [sflag:$0x1], $0x80, v4, vm0, $0xb8;
	[tilespmem:$0x18100] =	vst v63  }
0x69: {  	s11 =	rddreg [dreg:$0x16]  }
0x6a: {  	[hbm4b:s4+s2] =	stream.indirect_vreg.scatter [tilespmem:s11], [sflag:$0x1], $0x80, v3, vm0, $0xb8;
	[tilespmem:$0x18100] =	vst v63  }
0x6b: {  	s0 =	rddreg [dreg:$0x17]  }
0x6c: {  	[hbm4b:s5+s2] =	stream.indirect_vreg.scatter [tilespmem:s0], [sflag:$0x1], $0x80, v3, vm0, $0xb8;
	[tilespmem:$0x18100] =	vst v63  }
0x6d: {  	s11 =	rddreg [dreg:$0x18]  }
0x6e: {  	[hbm4b:s6+s2] =	stream.indirect_vreg.scatter [tilespmem:s11], [sflag:$0x1], $0x80, v3, vm0, $0xb8;
	[tilespmem:$0x18100] =	vst v63  }
0x6f: {  	v3 =	vld [tilespmem:$0x30];
	_ =	sdelay $0x4  }
0x70: {  	v59 =	vshrl.u32 v3, $0x3  }
0x71: {  	v4 =	vmul.u32 $0x30, v59  }
0x72: {  	v3 =	vand.u32 $0x7, v3  }
0x73: {  	v3 =	vor.u32 v3, v4  }
0x74: {  	v4 =	vperm.xlane v3, v0;
	_ =	sdelay $0x1  }
0x75: {  	v4 =	vadd.s32 v1, v4;
	_ =	sdelay $0x3  }
0x76: {  	s0 =	rddreg [dreg:$0x19];
	v3 =	vperm.xlane v3, v2  }
0x77: {  	[hbm4b:s4+s2] =	stream.indirect_vreg.scatter [tilespmem:s0], [sflag:$0x1], $0x80, v4, vm0, $0xb8;
	[tilespmem:$0x18100] =	vst v63  }
0x78: {  	s11 =	rddreg [dreg:$0x1a];
	v3 =	vadd.s32 v1, v3  }
0x79: {  	[hbm4b:s5+s2] =	stream.indirect_vreg.scatter [tilespmem:s11], [sflag:$0x1], $0x80, v4, vm0, $0xb8;
	[tilespmem:$0x18100] =	vst v63  }
0x7a: {  	s0 =	rddreg [dreg:$0x1b]  }
0x7b: {  	[hbm4b:s6+s2] =	stream.indirect_vreg.scatter [tilespmem:s0], [sflag:$0x1], $0x80, v4, vm0, $0xb8;
	[tilespmem:$0x18100] =	vst v63  }
0x7c: {  	s11 =	rddreg [dreg:$0x1c]  }
0x7d: {  	[hbm4b:s4+s2] =	stream.indirect_vreg.scatter [tilespmem:s11], [sflag:$0x1], $0x80, v3, vm0, $0xb8;
	[tilespmem:$0x18100] =	vst v63  }
0x7e: {  	s0 =	rddreg [dreg:$0x1d]  }
0x7f: {  	[hbm4b:s5+s2] =	stream.indirect_vreg.scatter [tilespmem:s0], [sflag:$0x1], $0x80, v3, vm0, $0xb8;
	[tilespmem:$0x18100] =	vst v63  }
0x80: {  	s11 =	rddreg [dreg:$0x1e]  }
0x81: {  	[hbm4b:s6+s2] =	stream.indirect_vreg.scatter [tilespmem:s11], [sflag:$0x1], $0x80, v3, vm0, $0xb8;
	[tilespmem:$0x18100] =	vst v63  }
0x82: {  	s0 =	rddreg [dreg:$0x6]  }
0x83: {  	[tilespmem:s10], [sflag:$0x3] =	stream.linear.gather [hbm4b:s0+s2], $0xC000, $0x38;
	[tilespmem:$0x18100] =	vst v63  }
0x84: {  	_ =	swait.ge [sflag:s8], $0xC000  }
0x85: {  	[sflag:s8] =	ssyncset.done $0x0  }
0x86: {  	[sflag:s8] =	ssyncadd.s32 $0xFFFF4000  }
0x87: {  	v3 =	vld [tilespmem:$0x80];
	_ =	sdelay $0x4  }
0x88: {  	v60 =	vshrl.u32 v3, $0x3  }
0x89: {  	v4 =	vmul.u32 $0x30, v60  }
0x8a: {  	v3 =	vand.u32 $0x7, v3  }
0x8b: {  	v3 =	vor.u32 v3, v4  }
0x8c: {  	v4 =	vperm.xlane v3, v0;
	_ =	sdelay $0x1  }
0x8d: {  	v4 =	vadd.s32 v1, v4;
	_ =	sdelay $0x3  }
0x8e: {  	s0 =	rddreg [dreg:$0x1f];
	v3 =	vperm.xlane v3, v2  }
0x8f: {  	[hbm4b:s4+s2] =	stream.indirect_vreg.scatter [tilespmem:s10], [sflag:$0x2], $0x80, v4, vm0, $0xb8;
	[tilespmem:$0x18100] =	vst v63  }
0x90: {  	s11 =	sld [smem:$0x7FB];
	v3 =	vadd.s32 v1, v3  }
0x91: {  	[hbm4b:s5+s2] =	stream.indirect_vreg.scatter [tilespmem:s0], [sflag:$0x2], $0x80, v4, vm0, $0xb8;
	[tilespmem:$0x18100] =	vst v63  }
0x92: {  	s0 =	sld [smem:$0x7FC]  }
0x93: {  	[hbm4b:s6+s2] =	stream.indirect_vreg.scatter [tilespmem:s11], [sflag:$0x2], $0x80, v4, vm0, $0xb8;
	[tilespmem:$0x18100] =	vst v63  }
0x94: {  	s11 =	sld [smem:$0x7FD]  }
0x95: {  	[hbm4b:s4+s2] =	stream.indirect_vreg.scatter [tilespmem:s0], [sflag:$0x2], $0x80, v3, vm0, $0xb8;
	[tilespmem:$0x18100] =	vst v63  }
0x96: {  	_ = 	snop  }
0x97: {  	[hbm4b:s5+s2] =	stream.indirect_vreg.scatter [tilespmem:s11], [sflag:$0x2], $0x80, v3, vm0, $0xb8;
	[tilespmem:$0x18100] =	vst v63  }
0x98: {  	s11 =	simm.s32 $0xE900  }
0x99: {  	[hbm4b:s6+s2] =	stream.indirect_vreg.scatter [tilespmem:s11], [sflag:$0x2], $0x80, v3, vm0, $0xb8;
	[tilespmem:$0x18100] =	vst v63  }
0x9a: {  	v3 =	vld [tilespmem:$0x90];
	_ =	sdelay $0x4  }
0x9b: {  	v61 =	vshrl.u32 v3, $0x3  }
0x9c: {  	v4 =	vmul.u32 $0x30, v61  }
0x9d: {  	v3 =	vand.u32 $0x7, v3  }
0x9e: {  	v3 =	vor.u32 v3, v4  }
0x9f: {  	v4 =	vperm.xlane v3, v0;
	_ =	sdelay $0x1  }
0xa0: {  	v4 =	vadd.s32 v1, v4;
	_ =	sdelay $0x3  }
0xa1: {  	v3 =	vperm.xlane v3, v2  }
0xa2: {  	[hbm4b:s4+s2] =	stream.indirect_vreg.scatter [tilespmem:s12], [sflag:$0x2], $0x80, v4, vm0, $0xb8;
	[tilespmem:$0x18100] =	vst v63  }
0xa3: {  	v3 =	vadd.s32 v1, v3  }
0xa4: {  	[hbm4b:s5+s2] =	stream.indirect_vreg.scatter [tilespmem:s13], [sflag:$0x2], $0x80, v4, vm0, $0xb8;
	[tilespmem:$0x18100] =	vst v63  }
0xa5: {  	_ = 	snop  }
0xa6: {  	[hbm4b:s6+s2] =	stream.indirect_vreg.scatter [tilespmem:s14], [sflag:$0x2], $0x80, v4, vm0, $0xb8;
	[tilespmem:$0x18100] =	vst v63  }
0xa7: {  	_ = 	snop  }
0xa8: {  	[hbm4b:s4+s2] =	stream.indirect_vreg.scatter [tilespmem:s15], [sflag:$0x2], $0x80, v3, vm0, $0xb8;
	[tilespmem:$0x18100] =	vst v63  }
0xa9: {  	_ = 	snop  }
0xaa: {  	[hbm4b:s5+s2] =	stream.indirect_vreg.scatter [tilespmem:s16], [sflag:$0x2], $0x80, v3, vm0, $0xb8;
	[tilespmem:$0x18100] =	vst v63  }
0xab: {  	_ = 	snop  }
0xac: {  	[hbm4b:s6+s2] =	stream.indirect_vreg.scatter [tilespmem:s17], [sflag:$0x2], $0x80, v3, vm0, $0xb8;
	[tilespmem:$0x18100] =	vst v63  }
0xad: {  	v3 =	vld [tilespmem:$0xA0];
	_ =	sdelay $0x4  }
0xae: {  	v62 =	vshrl.u32 v3, $0x3  }
0xaf: {  	v4 =	vmul.u32 $0x30, v62  }
0xb0: {  	v3 =	vand.u32 $0x7, v3  }
0xb1: {  	v3 =	vor.u32 v3, v4  }
0xb2: {  	v4 =	vperm.xlane v3, v0;
	_ =	sdelay $0x1  }
0xb3: {  	v4 =	vadd.s32 v1, v4;
	_ =	sdelay $0x3  }
0xb4: {  	v3 =	vperm.xlane v3, v2  }
0xb5: {  	[hbm4b:s4+s2] =	stream.indirect_vreg.scatter [tilespmem:s18], [sflag:$0x2], $0x80, v4, vm0, $0xb8;
	[tilespmem:$0x18100] =	vst v63  }
0xb6: {  	v3 =	vadd.s32 v1, v3  }
0xb7: {  	[hbm4b:s5+s2] =	stream.indirect_vreg.scatter [tilespmem:s19], [sflag:$0x2], $0x80, v4, vm0, $0xb8;
	[tilespmem:$0x18100] =	vst v63  }
0xb8: {  	_ = 	snop  }
0xb9: {  	[hbm4b:s6+s2] =	stream.indirect_vreg.scatter [tilespmem:s20], [sflag:$0x2], $0x80, v4, vm0, $0xb8;
	[tilespmem:$0x18100] =	vst v63  }
0xba: {  	_ = 	snop  }
0xbb: {  	[hbm4b:s4+s2] =	stream.indirect_vreg.scatter [tilespmem:s21], [sflag:$0x2], $0x80, v3, vm0, $0xb8;
	[tilespmem:$0x18100] =	vst v63  }
0xbc: {  	_ = 	snop  }
0xbd: {  	[hbm4b:s5+s2] =	stream.indirect_vreg.scatter [tilespmem:s22], [sflag:$0x2], $0x80, v3, vm0, $0xb8;
	[tilespmem:$0x18100] =	vst v63  }
0xbe: {  	_ = 	snop  }
0xbf: {  	[hbm4b:s6+s2] =	stream.indirect_vreg.scatter [tilespmem:s23], [sflag:$0x2], $0x80, v3, vm0, $0xb8;
	[tilespmem:$0x18100] =	vst v63  }
0xc0: {  	v3 =	vld [tilespmem:$0xB0];
	_ =	sdelay $0x4  }
0xc1: {  	v63 =	vshrl.u32 v3, $0x3  }
0xc2: {  	v4 =	vmul.u32 $0x30, v63  }
0xc3: {  	v3 =	vand.u32 $0x7, v3  }
0xc4: {  	v3 =	vor.u32 v3, v4  }
0xc5: {  	v4 =	vperm.xlane v3, v0;
	_ =	sdelay $0x1  }
0xc6: {  	v4 =	vadd.s32 v1, v4;
	_ =	sdelay $0x3  }
0xc7: {  	v3 =	vperm.xlane v3, v2  }
0xc8: {  	[hbm4b:s4+s2] =	stream.indirect_vreg.scatter [tilespmem:s24], [sflag:$0x2], $0x80, v4, vm0, $0xb8;
	[tilespmem:$0x18100] =	vst v63  }
0xc9: {  	v3 =	vadd.s32 v1, v3  }
0xca: {  	[hbm4b:s5+s2] =	stream.indirect_vreg.scatter [tilespmem:s25], [sflag:$0x2], $0x80, v4, vm0, $0xb8;
	[tilespmem:$0x18100] =	vst v63  }
0xcb: {  	_ = 	snop  }
0xcc: {  	[hbm4b:s6+s2] =	stream.indirect_vreg.scatter [tilespmem:s26], [sflag:$0x2], $0x80, v4, vm0, $0xb8;
	[tilespmem:$0x18100] =	vst v63  }
0xcd: {  	_ = 	snop  }
0xce: {  	[hbm4b:s4+s2] =	stream.indirect_vreg.scatter [tilespmem:s28], [sflag:$0x2], $0x80, v3, vm0, $0xb8;
	[tilespmem:$0x18100] =	vst v63  }
0xcf: {  	_ = 	snop  }
0xd0: {  	[hbm4b:s5+s2] =	stream.indirect_vreg.scatter [tilespmem:s29], [sflag:$0x2], $0x80, v3, vm0, $0xb8;
	[tilespmem:$0x18100] =	vst v63  }
0xd1: {  	_ = 	snop  }
0xd2: {  	[hbm4b:s6+s2] =	stream.indirect_vreg.scatter [tilespmem:s30], [sflag:$0x2], $0x80, v3, vm0, $0xb8;
	[tilespmem:$0x18100] =	vst v63  }
0xd3: {  	p0 =	sne.s32 s7, $0x1;
	_ =	swait.ge [sflag:s31], $0xC000  }
.Ltmp0:
0xd4: {  	[sflag:s31] =	ssyncset.done $0x0;
	(pc) =	sbr.rel @p0 .LBB2_1-.Ltmp0, $4  }
0xd5: {  	[sflag:s31] =	ssyncadd.s32 $0xFFFF4000  }
0xd6: {  	_ =	swait.ge [sflag:s1], $0xC000  }
0xd7: {  	[sflag:s1] =	ssyncset.done $0x0  }
0xd8: {  	s7 =	sadd.s32 $0xFFFFFFFF, s7;
	[sflag:s1] =	ssyncadd.s32 $0xFFFF4000  }
0xd9: {  	_ =	sfence.sel $0x180000  }
0xda: {  	[bflag:$0x0] =	sbarrier.arrive $0xFFFF  }
0xdb: {  	_ =	strace $0x90000047  }
0xdc: {  	s0 =	stileid.u32;
	[bflag:$0x2] =	sbarrier.arrive $0xFFFF  }
0xdd: {  	p0 =	sne.s32 s0, $0x0;
	s0 =	rddreg [dreg:$0x3]  }
0xde: {  	s0 =	sadd.s32 @!p0 $0x100000, s0  }
0xdf: {  	[sflag:s0] =	ssyncadd.tile.s32 @!p0 $0x1;
	_ =	shalt  }
.Lfunc_end2:
_tile_overlayer_lowered:
.L_overlay_start_2:
0xe0: {  	(tag) =	ssettag $0x2  }
0xe1: {  	s0 =	rddreg [dreg:$0x0];
	s2 =	stileid.u32  }
0xe2: {  	s1 =	rddreg [dreg:$0x1];
	p0 =	sne.s32 s2, $0x0  }
0xe3: {  	s3 =	rddreg [dreg:$0x2];
	[bflag:$0x3] =	sbarrier.arrive $0xFFFF;
	s2 =	simm.s32 @!p0 $0x1C03  }
0xe4: {  	[timem:s3], [sflag:s2] =	dma.local @!p0 [hbm:s0], s1  }
0xe5: {  	s0 =	simm.s32 @!p0 $0x3  }
0xe6: {  	_ =	swait.ge @!p0 [sflag:s0], s1  }
0xe7: {  	s1 =	ssub.s32 @!p0 $0x0, s1;
	[sflag:s0] =	ssyncset.done @!p0 $0x0  }
0xe8: {  	[sflag:s0] =	ssyncadd.s32 @!p0 s1  }
0xe9: {  	[bflag:$0x3] =	sbarrier.arrive $0xFFFF  }
0xea: {  	_ =	shalt  }

</sc_bundles>
